<compile_context>
chip_gen: v7x
topology: tpu7x:2x2x1
jax: 0.10.2.dev20260603
libtpu: 0.0.44.dev20260713+nightly
codegen_flags: <defaults>
</compile_context>

<pallas_src>
import functools

import jax
import jax.numpy as jnp
from jax import lax
from jax.experimental import pallas as pl
from jax.experimental.pallas import tpu as pltpu
from jax.experimental.pallas import tpu_sc as plsc

N = 10000
E = 320000
D = 128
H = 64
C = 64
NITER = 10

NCORE = 2
NSUB = 16
HALF = C // NCORE
NPAD = 10240
RPT = NPAD // NSUB
NRSUB = RPT // 128
EPT = 20480
EPAD = EPT * NSUB
NCHUNK = EPT // 128



def _mlp_body(x_ref, w1_ref, b1_ref, w2_ref, b2_ref, o_ref):
    x = x_ref[...]
    h1 = lax.dot_general(x, w1_ref[...], (((1,), (1,)), ((), ())),
                         preferred_element_type=jnp.float32)
    h1 = jnp.maximum(h1 + b1_ref[...], 0.0)
    h2 = lax.dot_general(h1, w2_ref[...], (((1,), (1,)), ((), ())),
                         preferred_element_type=jnp.float32)
    o_ref[...] = h2 + b2_ref[...]


def _mlp(x, W1, b1, W2, b2):
    blk = 1000
    grid = N // blk
    return pl.pallas_call(
        _mlp_body,
        grid=(grid,),
        in_specs=[
            pl.BlockSpec((blk, D), lambda i: (i, 0)),
            pl.BlockSpec((H, D), lambda i: (0, 0)),
            pl.BlockSpec((1, H), lambda i: (0, 0)),
            pl.BlockSpec((C, H), lambda i: (0, 0)),
            pl.BlockSpec((1, C), lambda i: (0, 0)),
        ],
        out_specs=pl.BlockSpec((blk, C), lambda i: (i, 0)),
        out_shape=jax.ShapeDtypeStruct((N, C), jnp.float32),
    )(x, W1, b1.reshape(1, H), W2, b2.reshape(1, C))



def _rsqrt16(x):
    s = (x + 1.0) * 0.5
    for _ in range(6):
        s = 0.5 * (s + x / s)
    y = 1.0 / s
    y = y * (2.0 - s * y)
    y = y * (1.5 - 0.5 * x * y * y)
    return y


CHW = 256
NSUP = EPT // CHW


def _prop_body(eidx, h_hbm, outs_hbm,
               src_v, dst_v, gbuf,
               dinv1_v, acc_sh, u_sh, semg, sems):
    core = lax.axis_index("c")
    wid = lax.axis_index("s")
    hbuf = gbuf.at[pl.ds(256, 128)]
    ubuf = gbuf.at[pl.ds(512, 128)]
    ones_v = gbuf.at[pl.ds(0, CHW)]
    degbuf = gbuf.at[pl.ds(768, 128)]
    rbase = wid * RPT
    ubase = core * NPAD

    pltpu.sync_copy(eidx.at[0, pl.ds(wid * NSUP, NSUP)], src_v)
    pltpu.sync_copy(eidx.at[1, pl.ds(wid * NSUP, NSUP)], dst_v)

    def _ones_body(k, _):
        ones_v[k // 2, pl.ds((k % 2) * 16, 16)] = jnp.full((16,), 1.0,
                                                          jnp.float32)
        return 0
    lax.fori_loop(0, CHW * 2, _ones_body, 0)

    def _dinit_body(s, _):
        pltpu.sync_copy(ones_v.at[pl.ds(0, 128)],
                        acc_sh.at[pl.ds(rbase + s * 128, 128)])
        return 0
    lax.fori_loop(0, NRSUB, _dinit_body, 0)
    plsc.subcore_barrier()

    def _deg_body(j, _):
        pltpu.sync_copy(ones_v, acc_sh.at[dst_v.at[j]], add=True)
        return 0
    lax.fori_loop(0, NSUP, _deg_body, 0)
    plsc.subcore_barrier()

    def _dinv_sub(s, _):
        pltpu.sync_copy(acc_sh.at[pl.ds(rbase + s * 128, 128)], degbuf)

        def _row(i, _):
            dinv1_v[s * 128 + i, :] = _rsqrt16(degbuf[i, pl.ds(0, 16)])
            return 0
        lax.fori_loop(0, 128, _row, 0)
        return 0
    lax.fori_loop(0, NRSUB, _dinv_sub, 0)

    def _u0_sub(s, _):
        pltpu.sync_copy(h_hbm.at[pl.ds(ubase + rbase + s * 128, 128)], hbuf)

        def _row(i, _):
            dv = dinv1_v[s * 128 + i, :]
            for p in range(HALF // 16):
                ubuf[i, pl.ds(p * 16, 16)] = hbuf[i, pl.ds(p * 16, 16)] * dv
            return 0
        lax.fori_loop(0, 128, _row, 0)
        pltpu.sync_copy(ubuf, u_sh.at[pl.ds(rbase + s * 128, 128)])
        pltpu.sync_copy(ubuf, acc_sh.at[pl.ds(rbase + s * 128, 128)])
        return 0
    lax.fori_loop(0, NRSUB, _u0_sub, 0)
    plsc.subcore_barrier()

    NB = 4
    PF = 3

    def _round(t, _):
        for s0 in range(PF):
            pltpu.async_copy(u_sh.at[src_v.at[s0]],
                             gbuf.at[pl.ds(s0 * CHW, CHW)], semg.at[s0])

        def _step(s, _):
            b = s % NB
            slot = pl.ds(b * CHW, CHW)
            pltpu.make_async_copy(
                u_sh.at[src_v.at[s]], gbuf.at[slot], semg.at[b]).wait()
            pltpu.async_copy(gbuf.at[slot], acc_sh.at[dst_v.at[s]],
                             sems.at[b], add=True)
            jj = s + PF
            bb = jj % NB
            slot2 = pl.ds(bb * CHW, CHW)

            @pl.when(jj < NSUP)
            def _():
                @pl.when(jj >= NB)
                def _():
                    pltpu.make_async_copy(
                        gbuf.at[slot2], acc_sh.at[dst_v.at[jj - NB]],
                        sems.at[bb]).wait()
                pltpu.async_copy(u_sh.at[src_v.at[jj]],
                                 gbuf.at[slot2], semg.at[bb])
            return 0
        lax.fori_loop(0, NSUP, _step, 0)

        def _drain(k, _):
            sl = NSUP - NB + k
            b = sl % NB
            pltpu.make_async_copy(gbuf.at[pl.ds(b * CHW, CHW)],
                                  acc_sh.at[dst_v.at[sl]], sems.at[b]).wait()
            return 0
        lax.fori_loop(0, NB, _drain, 0)
        plsc.subcore_barrier()

        def _scale_sub(s, _):
            row0 = rbase + s * 128
            accbuf = gbuf.at[pl.ds(0, 128)]
            pltpu.sync_copy(acc_sh.at[pl.ds(row0, 128)], accbuf)

            def _row(i, _):
                d1 = dinv1_v[s * 128 + i, :]
                d2 = d1 * d1
                for p in range(HALF // 16):
                    a = accbuf[i, pl.ds(p * 16, 16)]
                    hbuf[i, pl.ds(p * 16, 16)] = a * d1
                    ubuf[i, pl.ds(p * 16, 16)] = a * d2
                return 0
            lax.fori_loop(0, 128, _row, 0)
            orow = t * (NCORE * NPAD) + ubase + row0
            pltpu.sync_copy(hbuf, outs_hbm.at[pl.ds(orow, 128)])
            pltpu.sync_copy(ubuf, u_sh.at[pl.ds(row0, 128)])
            pltpu.sync_copy(ubuf, acc_sh.at[pl.ds(row0, 128)])
            return 0
        lax.fori_loop(0, NRSUB, _scale_sub, 0)
        plsc.subcore_barrier()
        return 0
    lax.fori_loop(0, NITER, _round, 0)


def _propagate(eidx_pad, h_split):
    mesh = plsc.VectorSubcoreMesh(core_axis_name="c", subcore_axis_name="s",
                                  num_cores=NCORE, num_subcores=NSUB)
    f = pl.kernel(
        _prop_body,
        out_type=jax.ShapeDtypeStruct((NITER * NCORE * NPAD, HALF),
                                      jnp.float32),
        mesh=mesh,
        scratch_types=[
            pltpu.VMEM((NSUP, CHW), jnp.int32),
            pltpu.VMEM((NSUP, CHW), jnp.int32),
            pltpu.VMEM((4 * CHW, HALF), jnp.float32),
            pltpu.VMEM((RPT, 16), jnp.float32),
            pltpu.VMEM_SHARED((NPAD, HALF), jnp.float32),
            pltpu.VMEM_SHARED((NPAD, HALF), jnp.float32),
            pltpu.SemaphoreType.DMA((4,)),
            pltpu.SemaphoreType.DMA((4,)),
        ],
        compiler_params=pltpu.CompilerParams(use_tc_tiling_on_sc=False),
    )
    return f(eidx_pad, h_split)



def _halt_body(o_ref, wh_ref, bh_ref, lo_ref, p_ref):
    wh = wh_ref[...].astype(jnp.bfloat16).astype(jnp.float32)
    rows = []
    for t in range(NITER):
        ot = o_ref[t].astype(jnp.bfloat16).astype(jnp.float32)
        lt = jnp.sum(ot * wh, axis=1)[None, :] + bh_ref[...]
        rows.append(jnp.clip(lt, -10.0, 10.0))
    logits = jnp.concatenate(rows, axis=0)
    lam = 1.0 / (1.0 + jnp.exp(-logits))
    rem = jnp.ones_like(lam[0:1])
    ps = []
    for n in range(NITER):
        ps.append(lam[n:n + 1] * rem)
        rem = rem * (1.0 - lam[n:n + 1])
    ps[-1] = ps[-1] + rem
    p = jnp.concatenate(ps, axis=0)
    lo_ref[...] = logits
    p_ref[...] = p


def _halting(outs_pad, Wh, bh):
    blk = 1280
    grid = NPAD // blk
    lo, p = pl.pallas_call(
        _halt_body,
        grid=(grid,),
        in_specs=[
            pl.BlockSpec((NITER, blk, C), lambda i: (0, i, 0)),
            pl.BlockSpec((1, C), lambda i: (0, 0)),
            pl.BlockSpec((1, 1), lambda i: (0, 0)),
        ],
        out_specs=[
            pl.BlockSpec((NITER, blk), lambda i: (0, i)),
            pl.BlockSpec((NITER, blk), lambda i: (0, i)),
        ],
        out_shape=[
            jax.ShapeDtypeStruct((NITER, NPAD), jnp.float32),
            jax.ShapeDtypeStruct((NITER, NPAD), jnp.float32),
        ],
    )(outs_pad, Wh, bh.reshape(1, 1))
    return lo[:, :N].T, p[:, :N].T



@jax.jit
def kernel(x, edge_index, W1, b1, W2, b2, Wh, bh):
    h = _mlp(x, W1, b1, W2, b2)

    eidx_pad = jnp.pad(edge_index, ((0, 0), (0, EPAD - E)), constant_values=N)
    eidx_pad = eidx_pad.reshape(2, NSUB * NSUP, CHW)
    h_pad = jnp.pad(h, ((0, NPAD - N), (0, 0)))
    h_split = h_pad.reshape(NPAD, NCORE, HALF).transpose(1, 0, 2)
    h_split = h_split.reshape(NCORE * NPAD, HALF)

    outs_flat = _propagate(eidx_pad, h_split)

    outs_pad = outs_flat.reshape(NITER, NCORE, NPAD, HALF)
    outs_pad = outs_pad.transpose(0, 2, 1, 3).reshape(NITER, NPAD, C)
    outs = outs_pad[:, :N]

    logits, p = _halting(outs_pad, Wh, bh)
    stacked = jnp.concatenate([h[None], outs], axis=0)
    return (stacked, p, logits)

# --- scband reference (transcript-rebuilt; emitter-appended) ---
"""Pipeline reference for scband-ponder-ap-gcn-63857573757461 (READ-ONLY COPY).

The authoritative reference and input builder live on the scoring server;
editing this copy changes nothing except your own understanding.
"""

import jax, jax.numpy as jnp
import numpy as np

N = 10000
E = 320000
D = 128
H = 64
C = 64
NITER = 10


def setup_inputs(seed: int = 0) -> dict:
    key = jax.random.key(seed)
    ks = jax.random.split(key, 8)
    x = jax.random.normal(ks[0], (N, D), dtype=jnp.float32)
    edge_index = jax.random.randint(ks[1], (2, E), 0, N, dtype=jnp.int32)
    W1 = jax.random.normal(ks[2], (H, D), dtype=jnp.float32) * (1.0 / np.sqrt(D))
    b1 = jnp.zeros((H,), dtype=jnp.float32)
    W2 = jax.random.normal(ks[3], (C, H), dtype=jnp.float32) * (1.0 / np.sqrt(H))
    b2 = jnp.zeros((C,), dtype=jnp.float32)
    Wh = jax.random.normal(ks[4], (1, C), dtype=jnp.float32) * (1.0 / np.sqrt(C))
    bh = jnp.zeros((1,), dtype=jnp.float32)  # halt_bias_init = 0.0
    return {"x": x, "edge_index": edge_index, "W1": W1, "b1": b1, "W2": W2, "b2": b2, "Wh": Wh, "bh": bh}


def _gcn_norm(edge_index, num_nodes, dtype):
    # gcn_norm with add_self_loops=True, improved=False, flow='source_to_target'
    src = edge_index[0]
    dst = edge_index[1]
    loop = jnp.arange(num_nodes, dtype=edge_index.dtype)
    src = jnp.concatenate([src, loop])
    dst = jnp.concatenate([dst, loop])
    w = jnp.ones(src.shape[0], dtype=dtype)
    deg = jnp.zeros(num_nodes, dtype=dtype).at[dst].add(w)
    deg_inv_sqrt = jnp.where(deg > 0, 1.0 / jnp.sqrt(jnp.maximum(deg, 1e-12)), 0.0)
    norm = deg_inv_sqrt[src] * w * deg_inv_sqrt[dst]
    return src, dst, norm


def reference(x, edge_index, W1, b1, W2, b2, Wh, bh):
    num_nodes = x.shape[0]
    # MLP (eval mode: dropout is identity)
    h = jax.nn.relu(x @ W1.T + b1)
    h = h @ W2.T + b2
    outputs = [h]
    # edge_dropout=0 / eval: norm is identical every iteration
    src, dst, norm = _gcn_norm(edge_index, num_nodes, x.dtype)
    prop_h = h
    halting_logits_list = []
    for _ in range(NITER):
        x_j = prop_h[src] * norm[:, None]
        prop_h = jnp.zeros_like(prop_h).at[dst].add(x_j)
        outputs.append(prop_h)
        logit = prop_h @ Wh.T + bh
        logit = jnp.clip(logit, -10.0, 10.0)
        halting_logits_list.append(logit)
    halting_logits = jnp.concatenate(halting_logits_list, axis=1)
    lambda_vals = jax.nn.sigmoid(halting_logits)
    p_list = []
    cumulative_remain_prob = jnp.ones((lambda_vals.shape[0], 1), dtype=lambda_vals.dtype)
    for n in range(NITER):
        p_n = lambda_vals[:, n:n + 1] * cumulative_remain_prob
        p_list.append(p_n)
        cumulative_remain_prob = cumulative_remain_prob * (1.0 - lambda_vals[:, n:n + 1])
    p_list[-1] = p_list[-1] + cumulative_remain_prob
    p = jnp.concatenate(p_list, axis=1)
    return (jnp.stack(outputs), p, halting_logits)

if __name__ == "__main__":
    import jax
    _d = setup_inputs()
    print(jax.jit(kernel)(*tuple(_d.values())))

</pallas_src>

<mosaic_0001>
#map = affine_map<(d0, d1) -> (0, 0, 0)>
#map1 = affine_map<(d0, d1) -> (0, 0)>
module attributes {stable_mosaic.version = 14 : i64} {
  func.func @_prop_body(%arg0: i32, %arg1: i32, %arg2: memref<2x1280x256xi32, #tpu.memory_space<hbm>>, %arg3: memref<20480x32xf32, #tpu.memory_space<hbm>>, %arg4: memref<204800x32xf32, #tpu.memory_space<hbm>>, %arg5: memref<80x256xi32, #tpu.memory_space<vmem>>, %arg6: memref<80x256xi32, #tpu.memory_space<vmem>>, %arg7: memref<1024x32xf32, #tpu.memory_space<vmem>>, %arg8: memref<640x16xf32, #tpu.memory_space<vmem>>, %arg9: memref<10240x32xf32, #tpu.memory_space<vmem_shared>>, %arg10: memref<10240x32xf32, #tpu.memory_space<vmem_shared>>, %arg11: memref<4x!tpu.dma_semaphore, #tpu.memory_space<semaphore_mem>>, %arg12: memref<4x!tpu.dma_semaphore, #tpu.memory_space<semaphore_mem>>) attributes {dimension_semantics = [#tpu.dimension_semantics<core_parallel>, #tpu.dimension_semantics<subcore_parallel>], iteration_bounds = array<i64: 2, 16>, scalar_prefetch = 0 : i64, scratch_operands = 8 : i64, tpu.core_type = #tpu.core_type<sc_vector_subcore>, window_params = [{transform_indices = #map}, {transform_indices = #map1}, {transform_indices = #map1}]} {
    %mul3A = arith.constant 640 : i32
    %mul3A_0 = arith.muli %arg1, %mul3A : i32
    %mul3A_1 = arith.constant 10240 : i32
    %mul3A_2 = arith.muli %arg0, %mul3A_1 : i32
    %mul3A_3 = arith.constant 80 : i32
    %mul3A_4 = arith.muli %arg1, %mul3A_3 : i32
    %run_scoped3A = arith.constant 0 : i32
    "tpu.region"() ({
      %run_scoped3A_51 = tpu.sem_alloc : memref<!tpu.dma_semaphore, #tpu.memory_space<semaphore_mem>>
      %dma_start3A = arith.constant 0 : i32
      %dma_start3A_52 = tpu.memref_slice %arg2[%run_scoped3A, %mul3A_4, %dma_start3A] : memref<2x1280x256xi32, #tpu.memory_space<hbm>> -> memref<1x80x256xi32, #tpu.memory_space<hbm>>
      %dma_start3A_53 = tpu.memref_squeeze %dma_start3A_52 : memref<1x80x256xi32, #tpu.memory_space<hbm>> -> memref<80x256xi32, #tpu.memory_space<hbm>>
      %dma_start3A_54 = arith.constant 0 : i32
      %dma_start3A_55 = tpu.memref_slice %arg2[%run_scoped3A, %mul3A_4, %dma_start3A_54] : memref<2x1280x256xi32, #tpu.memory_space<hbm>> -> memref<1x80x256xi32, #tpu.memory_space<hbm>>
      %dma_start3A_56 = tpu.memref_squeeze %dma_start3A_55 : memref<1x80x256xi32, #tpu.memory_space<hbm>> -> memref<80x256xi32, #tpu.memory_space<hbm>>
      tpu.enqueue_dma source(%dma_start3A_56 : memref<80x256xi32, #tpu.memory_space<hbm>>) target(%arg5 : memref<80x256xi32, #tpu.memory_space<vmem>>) target_semaphore(%run_scoped3A_51 : memref<!tpu.dma_semaphore, #tpu.memory_space<semaphore_mem>>)
      %dma_wait3A = arith.constant 0 : i32
      %dma_wait3A_57 = tpu.memref_slice %arg2[%run_scoped3A, %mul3A_4, %dma_wait3A] : memref<2x1280x256xi32, #tpu.memory_space<hbm>> -> memref<1x80x256xi32, #tpu.memory_space<hbm>>
      %dma_wait3A_58 = tpu.memref_squeeze %dma_wait3A_57 : memref<1x80x256xi32, #tpu.memory_space<hbm>> -> memref<80x256xi32, #tpu.memory_space<hbm>>
      %dma_wait3A_59 = arith.constant 0 : i32
      %dma_wait3A_60 = tpu.memref_slice %arg2[%run_scoped3A, %mul3A_4, %dma_wait3A_59] : memref<2x1280x256xi32, #tpu.memory_space<hbm>> -> memref<1x80x256xi32, #tpu.memory_space<hbm>>
      %dma_wait3A_61 = tpu.memref_squeeze %dma_wait3A_60 : memref<1x80x256xi32, #tpu.memory_space<hbm>> -> memref<80x256xi32, #tpu.memory_space<hbm>>
      tpu.wait_dma2 semaphore(%run_scoped3A_51 : memref<!tpu.dma_semaphore, #tpu.memory_space<semaphore_mem>>) src(%dma_wait3A_61 : memref<80x256xi32, #tpu.memory_space<hbm>>) dst(%arg5 : memref<80x256xi32, #tpu.memory_space<vmem>>)
      tpu.yield
    }) : () -> ()
    %mul3A_5 = arith.constant 80 : i32
    %mul3A_6 = arith.muli %arg1, %mul3A_5 : i32
    %run_scoped3A_7 = arith.constant 1 : i32
    "tpu.region"() ({
      %run_scoped3A_51 = tpu.sem_alloc : memref<!tpu.dma_semaphore, #tpu.memory_space<semaphore_mem>>
      %dma_start3A = arith.constant 0 : i32
      %dma_start3A_52 = tpu.memref_slice %arg2[%run_scoped3A_7, %mul3A_6, %dma_start3A] : memref<2x1280x256xi32, #tpu.memory_space<hbm>> -> memref<1x80x256xi32, #tpu.memory_space<hbm>>
      %dma_start3A_53 = tpu.memref_squeeze %dma_start3A_52 : memref<1x80x256xi32, #tpu.memory_space<hbm>> -> memref<80x256xi32, #tpu.memory_space<hbm>>
      %dma_start3A_54 = arith.constant 0 : i32
      %dma_start3A_55 = tpu.memref_slice %arg2[%run_scoped3A_7, %mul3A_6, %dma_start3A_54] : memref<2x1280x256xi32, #tpu.memory_space<hbm>> -> memref<1x80x256xi32, #tpu.memory_space<hbm>>
      %dma_start3A_56 = tpu.memref_squeeze %dma_start3A_55 : memref<1x80x256xi32, #tpu.memory_space<hbm>> -> memref<80x256xi32, #tpu.memory_space<hbm>>
      tpu.enqueue_dma source(%dma_start3A_56 : memref<80x256xi32, #tpu.memory_space<hbm>>) target(%arg6 : memref<80x256xi32, #tpu.memory_space<vmem>>) target_semaphore(%run_scoped3A_51 : memref<!tpu.dma_semaphore, #tpu.memory_space<semaphore_mem>>)
      %dma_wait3A = arith.constant 0 : i32
      %dma_wait3A_57 = tpu.memref_slice %arg2[%run_scoped3A_7, %mul3A_6, %dma_wait3A] : memref<2x1280x256xi32, #tpu.memory_space<hbm>> -> memref<1x80x256xi32, #tpu.memory_space<hbm>>
      %dma_wait3A_58 = tpu.memref_squeeze %dma_wait3A_57 : memref<1x80x256xi32, #tpu.memory_space<hbm>> -> memref<80x256xi32, #tpu.memory_space<hbm>>
      %dma_wait3A_59 = arith.constant 0 : i32
      %dma_wait3A_60 = tpu.memref_slice %arg2[%run_scoped3A_7, %mul3A_6, %dma_wait3A_59] : memref<2x1280x256xi32, #tpu.memory_space<hbm>> -> memref<1x80x256xi32, #tpu.memory_space<hbm>>
      %dma_wait3A_61 = tpu.memref_squeeze %dma_wait3A_60 : memref<1x80x256xi32, #tpu.memory_space<hbm>> -> memref<80x256xi32, #tpu.memory_space<hbm>>
      tpu.wait_dma2 semaphore(%run_scoped3A_51 : memref<!tpu.dma_semaphore, #tpu.memory_space<semaphore_mem>>) src(%dma_wait3A_61 : memref<80x256xi32, #tpu.memory_space<hbm>>) dst(%arg6 : memref<80x256xi32, #tpu.memory_space<vmem>>)
      tpu.yield
    }) : () -> ()
    %scan3A = arith.constant 0 : i32
    %scan3A_8 = arith.constant 0 : i32
    %scan3A_9 = arith.constant 512 : i32
    %scan3A_10 = arith.addi %scan3A_8, %scan3A_9 : i32
    %scan3A_11 = arith.constant 1 : i32
    %scan3A_12 = scf.for %scan3A_51 = %scan3A_8 to %scan3A_10 step %scan3A_11 iter_args(%scan3A_52 = %scan3A) -> (i32)  : i32 {
      %broadcast_in_dim3A = arith.constant 1.000000e+00 : f32
      %broadcast_in_dim3A_53 = vector.broadcast %broadcast_in_dim3A : f32 to vector<16xf32>
      %jit3A = arith.constant 2 : i32
      %div3A = arith.divsi %scan3A_51, %jit3A : i32
      %sign3A = arith.constant 0 : i32
      %sign3A_54 = arith.cmpi sgt, %scan3A_51, %sign3A : i32
      %sign3A_55 = arith.extui %sign3A_54 : i1 to i32
      %sign3A_56 = arith.constant 0 : i32
      %sign3A_57 = arith.cmpi slt, %scan3A_51, %sign3A_56 : i32
      %sign3A_58 = arith.extui %sign3A_57 : i1 to i32
      %sign3A_59 = arith.subi %sign3A_55, %sign3A_58 : i32
      %sign3A_60 = arith.constant 0 : i32
      %sign3A_61 = arith.cmpi sgt, %jit3A, %sign3A_60 : i32
      %sign3A_62 = arith.extui %sign3A_61 : i1 to i32
      %sign3A_63 = arith.constant 0 : i32
      %sign3A_64 = arith.cmpi slt, %jit3A, %sign3A_63 : i32
      %sign3A_65 = arith.extui %sign3A_64 : i1 to i32
      %sign3A_66 = arith.subi %sign3A_62, %sign3A_65 : i32
      %ne3A = arith.cmpi ne, %sign3A_59, %sign3A_66 : i32
      %rem3A = arith.remsi %scan3A_51, %jit3A : i32
      %ne3A_67 = arith.constant 0 : i32
      %ne3A_68 = arith.cmpi ne, %rem3A, %ne3A_67 : i32
      %and3A = arith.andi %ne3A, %ne3A_68 : i1
      %sub3A = arith.constant 1 : i32
      %sub3A_69 = arith.subi %div3A, %sub3A : i32
      %select_n3A = arith.select %and3A, %sub3A_69, %div3A : i32
      %jit3A_70 = arith.constant 2 : i32
      %eq3A = arith.constant 0 : i32
      %eq3A_71 = arith.cmpi eq, %jit3A_70, %eq3A : i32
      %jit3A_72 = arith.constant 1 : i32
      %select_n3A_73 = arith.select %eq3A_71, %jit3A_72, %jit3A_70 : i32
      %rem3A_74 = arith.remsi %scan3A_51, %select_n3A_73 : i32
      %ne3A_75 = arith.constant 0 : i32
      %ne3A_76 = arith.cmpi ne, %rem3A_74, %ne3A_75 : i32
      %lt3A = arith.constant 0 : i32
      %lt3A_77 = arith.cmpi slt, %rem3A_74, %lt3A : i32
      %lt3A_78 = arith.constant 0 : i32
      %lt3A_79 = arith.cmpi slt, %select_n3A_73, %lt3A_78 : i32
      %ne3A_80 = arith.xori %lt3A_77, %lt3A_79 : i1
      %and3A_81 = arith.andi %ne3A_80, %ne3A_76 : i1
      %add3A = arith.addi %rem3A_74, %select_n3A_73 : i32
      %select_n3A_82 = arith.select %and3A_81, %add3A, %rem3A_74 : i32
      %mul3A_83 = arith.constant 16 : i32
      %mul3A_84 = arith.muli %select_n3A_82, %mul3A_83 : i32
      %swap3A = arith.constant 0 : i32
      %swap3A_85 = arith.constant 0 : i32
      %swap3A_86 = tpu.memref_slice %arg7[%swap3A, %swap3A_85] : memref<1024x32xf32, #tpu.memory_space<vmem>> -> memref<256x32xf32, #tpu.memory_space<vmem>>
      %swap3A_87 = arith.index_cast %select_n3A : i32 to index
      %swap3A_88 = arith.index_cast %mul3A_84 : i32 to index
      %swap3A_89 = tpu.vector_load %swap3A_86[%swap3A_87, %swap3A_88] {strides = array<i32>} : memref<256x32xf32, #tpu.memory_space<vmem>>, vector<1x16xf32>,
      %swap3A_90 = vector.shape_cast %swap3A_89 : vector<1x16xf32> to vector<16xf32>
      %swap3A_91 = vector.shape_cast %broadcast_in_dim3A_53 : vector<16xf32> to vector<1x16xf32>
      tpu.vector_store %swap3A_86[%swap3A_87, %swap3A_88], %swap3A_91 {strides = array<i32>} : memref<256x32xf32, #tpu.memory_space<vmem>>, vector<1x16xf32>,
      %scan3A_92 = arith.constant 0 : i32
      scf.yield %scan3A_92 : i32
    }
    %scan3A_13 = arith.constant 512 : i32
    %scan3A_14 = arith.constant 0 : i32
    %scan3A_15 = arith.constant 0 : i32
    %scan3A_16 = arith.constant 5 : i32
    %scan3A_17 = arith.addi %scan3A_15, %scan3A_16 : i32
    %scan3A_18 = arith.constant 1 : i32
    %scan3A_19 = scf.for %scan3A_51 = %scan3A_15 to %scan3A_17 step %scan3A_18 iter_args(%scan3A_52 = %scan3A_14) -> (i32)  : i32 {
      %mul3A_53 = arith.constant 128 : i32
      %mul3A_54 = arith.muli %scan3A_51, %mul3A_53 : i32
      %add3A = arith.addi %mul3A_0, %mul3A_54 : i32
      "tpu.region"() ({
        %run_scoped3A_56 = tpu.sem_alloc : memref<!tpu.dma_semaphore, #tpu.memory_space<semaphore_mem>>
        %dma_start3A = arith.constant 0 : i32
        %dma_start3A_57 = arith.constant 0 : i32
        %dma_start3A_58 = tpu.memref_slice %arg7[%dma_start3A, %dma_start3A_57] : memref<1024x32xf32, #tpu.memory_space<vmem>> -> memref<256x32xf32, #tpu.memory_space<vmem>>
        %dma_start3A_59 = arith.constant 0 : i32
        %dma_start3A_60 = arith.constant 0 : i32
        %dma_start3A_61 = tpu.memref_slice %dma_start3A_58[%dma_start3A_59, %dma_start3A_60] : memref<256x32xf32, #tpu.memory_space<vmem>> -> memref<128x32xf32, #tpu.memory_space<vmem>>
        %dma_start3A_62 = arith.constant 0 : i32
        %dma_start3A_63 = tpu.memref_slice %arg9[%add3A, %dma_start3A_62] : memref<10240x32xf32, #tpu.memory_space<vmem_shared>> -> memref<128x32xf32, #tpu.memory_space<vmem_shared>>
        %dma_start3A_64 = arith.constant 0 : i32
        %dma_start3A_65 = tpu.memref_slice %arg9[%add3A, %dma_start3A_64] : memref<10240x32xf32, #tpu.memory_space<vmem_shared>> -> memref<128x32xf32, #tpu.memory_space<vmem_shared>>
        %dma_start3A_66 = arith.constant 0 : i32
        %dma_start3A_67 = arith.constant 0 : i32
        %dma_start3A_68 = tpu.memref_slice %arg7[%dma_start3A_66, %dma_start3A_67] : memref<1024x32xf32, #tpu.memory_space<vmem>> -> memref<256x32xf32, #tpu.memory_space<vmem>>
        %dma_start3A_69 = arith.constant 0 : i32
        %dma_start3A_70 = arith.constant 0 : i32
        %dma_start3A_71 = tpu.memref_slice %dma_start3A_68[%dma_start3A_69, %dma_start3A_70] : memref<256x32xf32, #tpu.memory_space<vmem>> -> memref<128x32xf32, #tpu.memory_space<vmem>>
        tpu.enqueue_dma source(%dma_start3A_71 : memref<128x32xf32, #tpu.memory_space<vmem>>) target(%dma_start3A_65 : memref<128x32xf32, #tpu.memory_space<vmem_shared>>) target_semaphore(%run_scoped3A_56 : memref<!tpu.dma_semaphore, #tpu.memory_space<semaphore_mem>>)
        %dma_wait3A = arith.constant 0 : i32
        %dma_wait3A_72 = arith.constant 0 : i32
        %dma_wait3A_73 = tpu.memref_slice %arg7[%dma_wait3A, %dma_wait3A_72] : memref<1024x32xf32, #tpu.memory_space<vmem>> -> memref<256x32xf32, #tpu.memory_space<vmem>>
        %dma_wait3A_74 = arith.constant 0 : i32
        %dma_wait3A_75 = arith.constant 0 : i32
        %dma_wait3A_76 = tpu.memref_slice %dma_wait3A_73[%dma_wait3A_74, %dma_wait3A_75] : memref<256x32xf32, #tpu.memory_space<vmem>> -> memref<128x32xf32, #tpu.memory_space<vmem>>
        %dma_wait3A_77 = arith.constant 0 : i32
        %dma_wait3A_78 = tpu.memref_slice %arg9[%add3A, %dma_wait3A_77] : memref<10240x32xf32, #tpu.memory_space<vmem_shared>> -> memref<128x32xf32, #tpu.memory_space<vmem_shared>>
        %dma_wait3A_79 = arith.constant 0 : i32
        %dma_wait3A_80 = tpu.memref_slice %arg9[%add3A, %dma_wait3A_79] : memref<10240x32xf32, #tpu.memory_space<vmem_shared>> -> memref<128x32xf32, #tpu.memory_space<vmem_shared>>
        %dma_wait3A_81 = arith.constant 0 : i32
        %dma_wait3A_82 = arith.constant 0 : i32
        %dma_wait3A_83 = tpu.memref_slice %arg7[%dma_wait3A_81, %dma_wait3A_82] : memref<1024x32xf32, #tpu.memory_space<vmem>> -> memref<256x32xf32, #tpu.memory_space<vmem>>
        %dma_wait3A_84 = arith.constant 0 : i32
        %dma_wait3A_85 = arith.constant 0 : i32
        %dma_wait3A_86 = tpu.memref_slice %dma_wait3A_83[%dma_wait3A_84, %dma_wait3A_85] : memref<256x32xf32, #tpu.memory_space<vmem>> -> memref<128x32xf32, #tpu.memory_space<vmem>>
        tpu.wait_dma2 semaphore(%run_scoped3A_56 : memref<!tpu.dma_semaphore, #tpu.memory_space<semaphore_mem>>) src(%dma_wait3A_86 : memref<128x32xf32, #tpu.memory_space<vmem>>) dst(%dma_wait3A_80 : memref<128x32xf32, #tpu.memory_space<vmem_shared>>)
        tpu.yield
      }) : () -> ()
      %scan3A_55 = arith.constant 0 : i32
      scf.yield %scan3A_55 : i32
    }
    %scan3A_20 = arith.constant 5 : i32
    %barrier3A = arith.constant 0 : index
    tpu.barrier barrier_id(%barrier3A)
    %scan3A_21 = arith.constant 0 : i32
    %scan3A_22 = arith.constant 0 : i32
    %scan3A_23 = arith.constant 80 : i32
    %scan3A_24 = arith.addi %scan3A_22, %scan3A_23 : i32
    %scan3A_25 = arith.constant 1 : i32
    %scan3A_26 = scf.for %scan3A_51 = %scan3A_22 to %scan3A_24 step %scan3A_25 iter_args(%scan3A_52 = %scan3A_21) -> (i32)  : i32 {
      "tpu.region"() ({
        %run_scoped3A_54 = tpu.sem_alloc : memref<!tpu.dma_semaphore, #tpu.memory_space<semaphore_mem>>
        %dma_start3A = arith.constant 0 : i32
        %dma_start3A_55 = arith.constant 0 : i32
        %dma_start3A_56 = tpu.memref_slice %arg7[%dma_start3A, %dma_start3A_55] : memref<1024x32xf32, #tpu.memory_space<vmem>> -> memref<256x32xf32, #tpu.memory_space<vmem>>
        %dma_start3A_57 = arith.constant 0 : i32
        %dma_start3A_58 = tpu.memref_slice %arg6[%scan3A_51, %dma_start3A_57] : memref<80x256xi32, #tpu.memory_space<vmem>> -> memref<1x256xi32, #tpu.memory_space<vmem>>
        %dma_start3A_59 = tpu.memref_squeeze %dma_start3A_58 : memref<1x256xi32, #tpu.memory_space<vmem>> -> memref<256xi32, #tpu.memory_space<vmem>>
        %dma_start3A_60 = arith.constant 0 : i32
        %dma_start3A_61 = arith.constant 0 : i32
        %dma_start3A_62 = tpu.memref_slice %arg9[%dma_start3A_60, %dma_start3A_61] : memref<10240x32xf32, #tpu.memory_space<vmem_shared>> -> memref<10240x32xf32, #tpu.memory_space<vmem_shared>>
        tpu.enqueue_indirect_dma source(%dma_start3A_56 : memref<256x32xf32, #tpu.memory_space<vmem>>) target(%dma_start3A_62 : memref<10240x32xf32, #tpu.memory_space<vmem_shared>>) offsets(%dma_start3A_59 : memref<256xi32, #tpu.memory_space<vmem>>) semaphore(%run_scoped3A_54 : memref<!tpu.dma_semaphore, #tpu.memory_space<semaphore_mem>>) {add = true}
        %dma_wait3A = arith.constant 0 : i32
        %dma_wait3A_63 = arith.constant 0 : i32
        %dma_wait3A_64 = tpu.memref_slice %arg7[%dma_wait3A, %dma_wait3A_63] : memref<1024x32xf32, #tpu.memory_space<vmem>> -> memref<256x32xf32, #tpu.memory_space<vmem>>
        %dma_wait3A_65 = arith.constant 0 : i32
        %dma_wait3A_66 = tpu.memref_slice %arg6[%scan3A_51, %dma_wait3A_65] : memref<80x256xi32, #tpu.memory_space<vmem>> -> memref<1x256xi32, #tpu.memory_space<vmem>>
        %dma_wait3A_67 = tpu.memref_squeeze %dma_wait3A_66 : memref<1x256xi32, #tpu.memory_space<vmem>> -> memref<256xi32, #tpu.memory_space<vmem>>
        %dma_wait3A_68 = arith.constant 0 : i32
        %dma_wait3A_69 = arith.constant 0 : i32
        %dma_wait3A_70 = tpu.memref_slice %arg9[%dma_wait3A_68, %dma_wait3A_69] : memref<10240x32xf32, #tpu.memory_space<vmem_shared>> -> memref<10240x32xf32, #tpu.memory_space<vmem_shared>>
        tpu.wait_indirect_dma semaphore(%run_scoped3A_54 : memref<!tpu.dma_semaphore, #tpu.memory_space<semaphore_mem>>) src(%dma_wait3A_64 : memref<256x32xf32, #tpu.memory_space<vmem>>) dst(%dma_wait3A_70 : memref<10240x32xf32, #tpu.memory_space<vmem_shared>>)
        tpu.yield
      }) : () -> ()
      %scan3A_53 = arith.constant 0 : i32
      scf.yield %scan3A_53 : i32
    }
    %scan3A_27 = arith.constant 80 : i32
    %barrier3A_28 = arith.constant 0 : index
    tpu.barrier barrier_id(%barrier3A_28)
    %scan3A_29 = arith.constant 0 : i32
    %scan3A_30 = arith.constant 0 : i32
    %scan3A_31 = arith.constant 5 : i32
    %scan3A_32 = arith.addi %scan3A_30, %scan3A_31 : i32
    %scan3A_33 = arith.constant 1 : i32
    %scan3A_34 = scf.for %scan3A_51 = %scan3A_30 to %scan3A_32 step %scan3A_33 iter_args(%scan3A_52 = %scan3A_29) -> (i32)  : i32 {
      %mul3A_53 = arith.constant 128 : i32
      %mul3A_54 = arith.muli %scan3A_51, %mul3A_53 : i32
      %add3A = arith.addi %mul3A_0, %mul3A_54 : i32
      "tpu.region"() ({
        %run_scoped3A_63 = tpu.sem_alloc : memref<!tpu.dma_semaphore, #tpu.memory_space<semaphore_mem>>
        %dma_start3A = arith.constant 768 : i32
        %dma_start3A_64 = arith.constant 0 : i32
        %dma_start3A_65 = tpu.memref_slice %arg7[%dma_start3A, %dma_start3A_64] : memref<1024x32xf32, #tpu.memory_space<vmem>> -> memref<128x32xf32, #tpu.memory_space<vmem>>
        %dma_start3A_66 = arith.constant 0 : i32
        %dma_start3A_67 = tpu.memref_slice %arg9[%add3A, %dma_start3A_66] : memref<10240x32xf32, #tpu.memory_space<vmem_shared>> -> memref<128x32xf32, #tpu.memory_space<vmem_shared>>
        %dma_start3A_68 = arith.constant 768 : i32
        %dma_start3A_69 = arith.constant 0 : i32
        %dma_start3A_70 = tpu.memref_slice %arg7[%dma_start3A_68, %dma_start3A_69] : memref<1024x32xf32, #tpu.memory_space<vmem>> -> memref<128x32xf32, #tpu.memory_space<vmem>>
        %dma_start3A_71 = arith.constant 0 : i32
        %dma_start3A_72 = tpu.memref_slice %arg9[%add3A, %dma_start3A_71] : memref<10240x32xf32, #tpu.memory_space<vmem_shared>> -> memref<128x32xf32, #tpu.memory_space<vmem_shared>>
        tpu.enqueue_dma source(%dma_start3A_72 : memref<128x32xf32, #tpu.memory_space<vmem_shared>>) target(%dma_start3A_70 : memref<128x32xf32, #tpu.memory_space<vmem>>) target_semaphore(%run_scoped3A_63 : memref<!tpu.dma_semaphore, #tpu.memory_space<semaphore_mem>>)
        %dma_wait3A = arith.constant 768 : i32
        %dma_wait3A_73 = arith.constant 0 : i32
        %dma_wait3A_74 = tpu.memref_slice %arg7[%dma_wait3A, %dma_wait3A_73] : memref<1024x32xf32, #tpu.memory_space<vmem>> -> memref<128x32xf32, #tpu.memory_space<vmem>>
        %dma_wait3A_75 = arith.constant 0 : i32
        %dma_wait3A_76 = tpu.memref_slice %arg9[%add3A, %dma_wait3A_75] : memref<10240x32xf32, #tpu.memory_space<vmem_shared>> -> memref<128x32xf32, #tpu.memory_space<vmem_shared>>
        %dma_wait3A_77 = arith.constant 768 : i32
        %dma_wait3A_78 = arith.constant 0 : i32
        %dma_wait3A_79 = tpu.memref_slice %arg7[%dma_wait3A_77, %dma_wait3A_78] : memref<1024x32xf32, #tpu.memory_space<vmem>> -> memref<128x32xf32, #tpu.memory_space<vmem>>
        %dma_wait3A_80 = arith.constant 0 : i32
        %dma_wait3A_81 = tpu.memref_slice %arg9[%add3A, %dma_wait3A_80] : memref<10240x32xf32, #tpu.memory_space<vmem_shared>> -> memref<128x32xf32, #tpu.memory_space<vmem_shared>>
        tpu.wait_dma2 semaphore(%run_scoped3A_63 : memref<!tpu.dma_semaphore, #tpu.memory_space<semaphore_mem>>) src(%dma_wait3A_81 : memref<128x32xf32, #tpu.memory_space<vmem_shared>>) dst(%dma_wait3A_79 : memref<128x32xf32, #tpu.memory_space<vmem>>)
        tpu.yield
      }) : () -> ()
      %scan3A_55 = arith.constant 0 : i32
      %scan3A_56 = arith.constant 0 : i32
      %scan3A_57 = arith.constant 128 : i32
      %scan3A_58 = arith.addi %scan3A_56, %scan3A_57 : i32
      %scan3A_59 = arith.constant 1 : i32
      %scan3A_60 = scf.for %scan3A_63 = %scan3A_56 to %scan3A_58 step %scan3A_59 iter_args(%scan3A_64 = %scan3A_55) -> (i32)  : i32 {
        %get3A = arith.constant 768 : i32
        %get3A_65 = arith.constant 0 : i32
        %get3A_66 = tpu.memref_slice %arg7[%get3A, %get3A_65] : memref<1024x32xf32, #tpu.memory_space<vmem>> -> memref<128x32xf32, #tpu.memory_space<vmem>>
        %get3A_67 = arith.index_cast %scan3A_63 : i32 to index
        %get3A_68 = arith.constant 0 : index
        %get3A_69 = tpu.vector_load %get3A_66[%get3A_67, %get3A_68] {strides = array<i32>} : memref<128x32xf32, #tpu.memory_space<vmem>>, vector<1x16xf32>,
        %get3A_70 = vector.shape_cast %get3A_69 : vector<1x16xf32> to vector<16xf32>
        %add3A_71 = arith.constant 1.000000e+00 : f32
        %add3A_72 = vector.broadcast %add3A_71 : f32 to vector<16xf32>
        %add3A_73 = arith.addf %get3A_70, %add3A_72 : vector<16xf32>
        %mul3A_74 = arith.constant 5.000000e-01 : f32
        %mul3A_75 = vector.broadcast %mul3A_74 : f32 to vector<16xf32>
        %mul3A_76 = arith.mulf %add3A_73, %mul3A_75 : vector<16xf32>
        %div3A = arith.divf %get3A_70, %mul3A_76 : vector<16xf32>
        %add3A_77 = arith.addf %mul3A_76, %div3A : vector<16xf32>
        %mul3A_78 = arith.constant 5.000000e-01 : f32
        %mul3A_79 = vector.broadcast %mul3A_78 : f32 to vector<16xf32>
        %mul3A_80 = arith.mulf %mul3A_79, %add3A_77 : vector<16xf32>
        %div3A_81 = arith.divf %get3A_70, %mul3A_80 : vector<16xf32>
        %add3A_82 = arith.addf %mul3A_80, %div3A_81 : vector<16xf32>
        %mul3A_83 = arith.constant 5.000000e-01 : f32
        %mul3A_84 = vector.broadcast %mul3A_83 : f32 to vector<16xf32>
        %mul3A_85 = arith.mulf %mul3A_84, %add3A_82 : vector<16xf32>
        %div3A_86 = arith.divf %get3A_70, %mul3A_85 : vector<16xf32>
        %add3A_87 = arith.addf %mul3A_85, %div3A_86 : vector<16xf32>
        %mul3A_88 = arith.constant 5.000000e-01 : f32
        %mul3A_89 = vector.broadcast %mul3A_88 : f32 to vector<16xf32>
        %mul3A_90 = arith.mulf %mul3A_89, %add3A_87 : vector<16xf32>
        %div3A_91 = arith.divf %get3A_70, %mul3A_90 : vector<16xf32>
        %add3A_92 = arith.addf %mul3A_90, %div3A_91 : vector<16xf32>
        %mul3A_93 = arith.constant 5.000000e-01 : f32
        %mul3A_94 = vector.broadcast %mul3A_93 : f32 to vector<16xf32>
        %mul3A_95 = arith.mulf %mul3A_94, %add3A_92 : vector<16xf32>
        %div3A_96 = arith.divf %get3A_70, %mul3A_95 : vector<16xf32>
        %add3A_97 = arith.addf %mul3A_95, %div3A_96 : vector<16xf32>
        %mul3A_98 = arith.constant 5.000000e-01 : f32
        %mul3A_99 = vector.broadcast %mul3A_98 : f32 to vector<16xf32>
        %mul3A_100 = arith.mulf %mul3A_99, %add3A_97 : vector<16xf32>
        %div3A_101 = arith.divf %get3A_70, %mul3A_100 : vector<16xf32>
        %add3A_102 = arith.addf %mul3A_100, %div3A_101 : vector<16xf32>
        %mul3A_103 = arith.constant 5.000000e-01 : f32
        %mul3A_104 = vector.broadcast %mul3A_103 : f32 to vector<16xf32>
        %mul3A_105 = arith.mulf %mul3A_104, %add3A_102 : vector<16xf32>
        %div3A_106 = arith.constant 1.000000e+00 : f32
        %div3A_107 = vector.broadcast %div3A_106 : f32 to vector<16xf32>
        %div3A_108 = arith.divf %div3A_107, %mul3A_105 : vector<16xf32>
        %mul3A_109 = arith.mulf %mul3A_105, %div3A_108 : vector<16xf32>
        %sub3A = arith.constant 2.000000e+00 : f32
        %sub3A_110 = vector.broadcast %sub3A : f32 to vector<16xf32>
        %sub3A_111 = arith.subf %sub3A_110, %mul3A_109 : vector<16xf32>
        %mul3A_112 = arith.mulf %div3A_108, %sub3A_111 : vector<16xf32>
        %mul3A_113 = arith.constant 5.000000e-01 : f32
        %mul3A_114 = vector.broadcast %mul3A_113 : f32 to vector<16xf32>
        %mul3A_115 = arith.mulf %mul3A_114, %get3A_70 : vector<16xf32>
        %mul3A_116 = arith.mulf %mul3A_115, %mul3A_112 : vector<16xf32>
        %mul3A_117 = arith.mulf %mul3A_116, %mul3A_112 : vector<16xf32>
        %sub3A_118 = arith.constant 1.500000e+00 : f32
        %sub3A_119 = vector.broadcast %sub3A_118 : f32 to vector<16xf32>
        %sub3A_120 = arith.subf %sub3A_119, %mul3A_117 : vector<16xf32>
        %mul3A_121 = arith.mulf %mul3A_112, %sub3A_120 : vector<16xf32>
        %mul3A_122 = arith.constant 128 : i32
        %mul3A_123 = arith.muli %scan3A_51, %mul3A_122 : i32
        %add3A_124 = arith.addi %mul3A_123, %scan3A_63 : i32
        %swap3A = arith.index_cast %add3A_124 : i32 to index
        %swap3A_125 = arith.constant 0 : index
        %swap3A_126 = tpu.vector_load %arg8[%swap3A, %swap3A_125] {strides = array<i32>} : memref<640x16xf32, #tpu.memory_space<vmem>>, vector<1x16xf32>,
        %swap3A_127 = vector.shape_cast %swap3A_126 : vector<1x16xf32> to vector<16xf32>
        %swap3A_128 = vector.shape_cast %mul3A_121 : vector<16xf32> to vector<1x16xf32>
        tpu.vector_store %arg8[%swap3A, %swap3A_125], %swap3A_128 {strides = array<i32>} : memref<640x16xf32, #tpu.memory_space<vmem>>, vector<1x16xf32>,
        %scan3A_129 = arith.constant 0 : i32
        scf.yield %scan3A_129 : i32
      }
      %scan3A_61 = arith.constant 128 : i32
      %scan3A_62 = arith.constant 0 : i32
      scf.yield %scan3A_62 : i32
    }
    %scan3A_35 = arith.constant 5 : i32
    %scan3A_36 = arith.constant 0 : i32
    %scan3A_37 = arith.constant 0 : i32
    %scan3A_38 = arith.constant 5 : i32
    %scan3A_39 = arith.addi %scan3A_37, %scan3A_38 : i32
    %scan3A_40 = arith.constant 1 : i32
    %scan3A_41 = scf.for %scan3A_51 = %scan3A_37 to %scan3A_39 step %scan3A_40 iter_args(%scan3A_52 = %scan3A_36) -> (i32)  : i32 {
      %add3A = arith.addi %mul3A_2, %mul3A_0 : i32
      %mul3A_53 = arith.constant 128 : i32
      %mul3A_54 = arith.muli %scan3A_51, %mul3A_53 : i32
      %add3A_55 = arith.addi %add3A, %mul3A_54 : i32
      "tpu.region"() ({
        %run_scoped3A_70 = tpu.sem_alloc : memref<!tpu.dma_semaphore, #tpu.memory_space<semaphore_mem>>
        %dma_start3A = arith.constant 256 : i32
        %dma_start3A_71 = arith.constant 0 : i32
        %dma_start3A_72 = tpu.memref_slice %arg7[%dma_start3A, %dma_start3A_71] : memref<1024x32xf32, #tpu.memory_space<vmem>> -> memref<128x32xf32, #tpu.memory_space<vmem>>
        %dma_start3A_73 = arith.constant 0 : i32
        %dma_start3A_74 = tpu.memref_slice %arg3[%add3A_55, %dma_start3A_73] : memref<20480x32xf32, #tpu.memory_space<hbm>> -> memref<128x32xf32, #tpu.memory_space<hbm>>
        %dma_start3A_75 = arith.constant 256 : i32
        %dma_start3A_76 = arith.constant 0 : i32
        %dma_start3A_77 = tpu.memref_slice %arg7[%dma_start3A_75, %dma_start3A_76] : memref<1024x32xf32, #tpu.memory_space<vmem>> -> memref<128x32xf32, #tpu.memory_space<vmem>>
        %dma_start3A_78 = arith.constant 0 : i32
        %dma_start3A_79 = tpu.memref_slice %arg3[%add3A_55, %dma_start3A_78] : memref<20480x32xf32, #tpu.memory_space<hbm>> -> memref<128x32xf32, #tpu.memory_space<hbm>>
        tpu.enqueue_dma source(%dma_start3A_79 : memref<128x32xf32, #tpu.memory_space<hbm>>) target(%dma_start3A_77 : memref<128x32xf32, #tpu.memory_space<vmem>>) target_semaphore(%run_scoped3A_70 : memref<!tpu.dma_semaphore, #tpu.memory_space<semaphore_mem>>)
        %dma_wait3A = arith.constant 256 : i32
        %dma_wait3A_80 = arith.constant 0 : i32
        %dma_wait3A_81 = tpu.memref_slice %arg7[%dma_wait3A, %dma_wait3A_80] : memref<1024x32xf32, #tpu.memory_space<vmem>> -> memref<128x32xf32, #tpu.memory_space<vmem>>
        %dma_wait3A_82 = arith.constant 0 : i32
        %dma_wait3A_83 = tpu.memref_slice %arg3[%add3A_55, %dma_wait3A_82] : memref<20480x32xf32, #tpu.memory_space<hbm>> -> memref<128x32xf32, #tpu.memory_space<hbm>>
        %dma_wait3A_84 = arith.constant 256 : i32
        %dma_wait3A_85 = arith.constant 0 : i32
        %dma_wait3A_86 = tpu.memref_slice %arg7[%dma_wait3A_84, %dma_wait3A_85] : memref<1024x32xf32, #tpu.memory_space<vmem>> -> memref<128x32xf32, #tpu.memory_space<vmem>>
        %dma_wait3A_87 = arith.constant 0 : i32
        %dma_wait3A_88 = tpu.memref_slice %arg3[%add3A_55, %dma_wait3A_87] : memref<20480x32xf32, #tpu.memory_space<hbm>> -> memref<128x32xf32, #tpu.memory_space<hbm>>
        tpu.wait_dma2 semaphore(%run_scoped3A_70 : memref<!tpu.dma_semaphore, #tpu.memory_space<semaphore_mem>>) src(%dma_wait3A_88 : memref<128x32xf32, #tpu.memory_space<hbm>>) dst(%dma_wait3A_86 : memref<128x32xf32, #tpu.memory_space<vmem>>)
        tpu.yield
      }) : () -> ()
      %scan3A_56 = arith.constant 0 : i32
      %scan3A_57 = arith.constant 0 : i32
      %scan3A_58 = arith.constant 128 : i32
      %scan3A_59 = arith.addi %scan3A_57, %scan3A_58 : i32
      %scan3A_60 = arith.constant 1 : i32
      %scan3A_61 = scf.for %scan3A_70 = %scan3A_57 to %scan3A_59 step %scan3A_60 iter_args(%scan3A_71 = %scan3A_56) -> (i32)  : i32 {
        %mul3A_72 = arith.constant 128 : i32
        %mul3A_73 = arith.muli %scan3A_51, %mul3A_72 : i32
        %add3A_74 = arith.addi %mul3A_73, %scan3A_70 : i32
        %get3A = arith.index_cast %add3A_74 : i32 to index
        %get3A_75 = arith.constant 0 : index
        %get3A_76 = tpu.vector_load %arg8[%get3A, %get3A_75] {strides = array<i32>} : memref<640x16xf32, #tpu.memory_space<vmem>>, vector<1x16xf32>,
        %get3A_77 = vector.shape_cast %get3A_76 : vector<1x16xf32> to vector<16xf32>
        %get3A_78 = arith.constant 256 : i32
        %get3A_79 = arith.constant 0 : i32
        %get3A_80 = tpu.memref_slice %arg7[%get3A_78, %get3A_79] : memref<1024x32xf32, #tpu.memory_space<vmem>> -> memref<128x32xf32, #tpu.memory_space<vmem>>
        %get3A_81 = arith.index_cast %scan3A_70 : i32 to index
        %get3A_82 = arith.constant 0 : index
        %get3A_83 = tpu.vector_load %get3A_80[%get3A_81, %get3A_82] {strides = array<i32>} : memref<128x32xf32, #tpu.memory_space<vmem>>, vector<1x16xf32>,
        %get3A_84 = vector.shape_cast %get3A_83 : vector<1x16xf32> to vector<16xf32>
        %mul3A_85 = arith.mulf %get3A_84, %get3A_77 : vector<16xf32>
        %swap3A = arith.constant 512 : i32
        %swap3A_86 = arith.constant 0 : i32
        %swap3A_87 = tpu.memref_slice %arg7[%swap3A, %swap3A_86] : memref<1024x32xf32, #tpu.memory_space<vmem>> -> memref<128x32xf32, #tpu.memory_space<vmem>>
        %swap3A_88 = arith.index_cast %scan3A_70 : i32 to index
        %swap3A_89 = arith.constant 0 : index
        %swap3A_90 = tpu.vector_load %swap3A_87[%swap3A_88, %swap3A_89] {strides = array<i32>} : memref<128x32xf32, #tpu.memory_space<vmem>>, vector<1x16xf32>,
        %swap3A_91 = vector.shape_cast %swap3A_90 : vector<1x16xf32> to vector<16xf32>
        %swap3A_92 = vector.shape_cast %mul3A_85 : vector<16xf32> to vector<1x16xf32>
        tpu.vector_store %swap3A_87[%swap3A_88, %swap3A_89], %swap3A_92 {strides = array<i32>} : memref<128x32xf32, #tpu.memory_space<vmem>>, vector<1x16xf32>,
        %get3A_93 = arith.constant 256 : i32
        %get3A_94 = arith.constant 0 : i32
        %get3A_95 = tpu.memref_slice %arg7[%get3A_93, %get3A_94] : memref<1024x32xf32, #tpu.memory_space<vmem>> -> memref<128x32xf32, #tpu.memory_space<vmem>>
        %get3A_96 = arith.index_cast %scan3A_70 : i32 to index
        %get3A_97 = arith.constant 16 : index
        %get3A_98 = tpu.vector_load %get3A_95[%get3A_96, %get3A_97] {strides = array<i32>} : memref<128x32xf32, #tpu.memory_space<vmem>>, vector<1x16xf32>,
        %get3A_99 = vector.shape_cast %get3A_98 : vector<1x16xf32> to vector<16xf32>
        %mul3A_100 = arith.mulf %get3A_99, %get3A_77 : vector<16xf32>
        %swap3A_101 = arith.constant 512 : i32
        %swap3A_102 = arith.constant 0 : i32
        %swap3A_103 = tpu.memref_slice %arg7[%swap3A_101, %swap3A_102] : memref<1024x32xf32, #tpu.memory_space<vmem>> -> memref<128x32xf32, #tpu.memory_space<vmem>>
        %swap3A_104 = arith.index_cast %scan3A_70 : i32 to index
        %swap3A_105 = arith.constant 16 : index
        %swap3A_106 = tpu.vector_load %swap3A_103[%swap3A_104, %swap3A_105] {strides = array<i32>} : memref<128x32xf32, #tpu.memory_space<vmem>>, vector<1x16xf32>,
        %swap3A_107 = vector.shape_cast %swap3A_106 : vector<1x16xf32> to vector<16xf32>
        %swap3A_108 = vector.shape_cast %mul3A_100 : vector<16xf32> to vector<1x16xf32>
        tpu.vector_store %swap3A_103[%swap3A_104, %swap3A_105], %swap3A_108 {strides = array<i32>} : memref<128x32xf32, #tpu.memory_space<vmem>>, vector<1x16xf32>,
        %scan3A_109 = arith.constant 0 : i32
        scf.yield %scan3A_109 : i32
      }
      %scan3A_62 = arith.constant 128 : i32
      %mul3A_63 = arith.constant 128 : i32
      %mul3A_64 = arith.muli %scan3A_51, %mul3A_63 : i32
      %add3A_65 = arith.addi %mul3A_0, %mul3A_64 : i32
      "tpu.region"() ({
        %run_scoped3A_70 = tpu.sem_alloc : memref<!tpu.dma_semaphore, #tpu.memory_space<semaphore_mem>>
        %dma_start3A = arith.constant 512 : i32
        %dma_start3A_71 = arith.constant 0 : i32
        %dma_start3A_72 = tpu.memref_slice %arg7[%dma_start3A, %dma_start3A_71] : memref<1024x32xf32, #tpu.memory_space<vmem>> -> memref<128x32xf32, #tpu.memory_space<vmem>>
        %dma_start3A_73 = arith.constant 0 : i32
        %dma_start3A_74 = tpu.memref_slice %arg10[%add3A_65, %dma_start3A_73] : memref<10240x32xf32, #tpu.memory_space<vmem_shared>> -> memref<128x32xf32, #tpu.memory_space<vmem_shared>>
        %dma_start3A_75 = arith.constant 0 : i32
        %dma_start3A_76 = tpu.memref_slice %arg10[%add3A_65, %dma_start3A_75] : memref<10240x32xf32, #tpu.memory_space<vmem_shared>> -> memref<128x32xf32, #tpu.memory_space<vmem_shared>>
        %dma_start3A_77 = arith.constant 512 : i32
        %dma_start3A_78 = arith.constant 0 : i32
        %dma_start3A_79 = tpu.memref_slice %arg7[%dma_start3A_77, %dma_start3A_78] : memref<1024x32xf32, #tpu.memory_space<vmem>> -> memref<128x32xf32, #tpu.memory_space<vmem>>
        tpu.enqueue_dma source(%dma_start3A_79 : memref<128x32xf32, #tpu.memory_space<vmem>>) target(%dma_start3A_76 : memref<128x32xf32, #tpu.memory_space<vmem_shared>>) target_semaphore(%run_scoped3A_70 : memref<!tpu.dma_semaphore, #tpu.memory_space<semaphore_mem>>)
        %dma_wait3A = arith.constant 512 : i32
        %dma_wait3A_80 = arith.constant 0 : i32
        %dma_wait3A_81 = tpu.memref_slice %arg7[%dma_wait3A, %dma_wait3A_80] : memref<1024x32xf32, #tpu.memory_space<vmem>> -> memref<128x32xf32, #tpu.memory_space<vmem>>
        %dma_wait3A_82 = arith.constant 0 : i32
        %dma_wait3A_83 = tpu.memref_slice %arg10[%add3A_65, %dma_wait3A_82] : memref<10240x32xf32, #tpu.memory_space<vmem_shared>> -> memref<128x32xf32, #tpu.memory_space<vmem_shared>>
        %dma_wait3A_84 = arith.constant 0 : i32
        %dma_wait3A_85 = tpu.memref_slice %arg10[%add3A_65, %dma_wait3A_84] : memref<10240x32xf32, #tpu.memory_space<vmem_shared>> -> memref<128x32xf32, #tpu.memory_space<vmem_shared>>
        %dma_wait3A_86 = arith.constant 512 : i32
        %dma_wait3A_87 = arith.constant 0 : i32
        %dma_wait3A_88 = tpu.memref_slice %arg7[%dma_wait3A_86, %dma_wait3A_87] : memref<1024x32xf32, #tpu.memory_space<vmem>> -> memref<128x32xf32, #tpu.memory_space<vmem>>
        tpu.wait_dma2 semaphore(%run_scoped3A_70 : memref<!tpu.dma_semaphore, #tpu.memory_space<semaphore_mem>>) src(%dma_wait3A_88 : memref<128x32xf32, #tpu.memory_space<vmem>>) dst(%dma_wait3A_85 : memref<128x32xf32, #tpu.memory_space<vmem_shared>>)
        tpu.yield
      }) : () -> ()
      %mul3A_66 = arith.constant 128 : i32
      %mul3A_67 = arith.muli %scan3A_51, %mul3A_66 : i32
      %add3A_68 = arith.addi %mul3A_0, %mul3A_67 : i32
      "tpu.region"() ({
        %run_scoped3A_70 = tpu.sem_alloc : memref<!tpu.dma_semaphore, #tpu.memory_space<semaphore_mem>>
        %dma_start3A = arith.constant 512 : i32
        %dma_start3A_71 = arith.constant 0 : i32
        %dma_start3A_72 = tpu.memref_slice %arg7[%dma_start3A, %dma_start3A_71] : memref<1024x32xf32, #tpu.memory_space<vmem>> -> memref<128x32xf32, #tpu.memory_space<vmem>>
        %dma_start3A_73 = arith.constant 0 : i32
        %dma_start3A_74 = tpu.memref_slice %arg9[%add3A_68, %dma_start3A_73] : memref<10240x32xf32, #tpu.memory_space<vmem_shared>> -> memref<128x32xf32, #tpu.memory_space<vmem_shared>>
        %dma_start3A_75 = arith.constant 0 : i32
        %dma_start3A_76 = tpu.memref_slice %arg9[%add3A_68, %dma_start3A_75] : memref<10240x32xf32, #tpu.memory_space<vmem_shared>> -> memref<128x32xf32, #tpu.memory_space<vmem_shared>>
        %dma_start3A_77 = arith.constant 512 : i32
        %dma_start3A_78 = arith.constant 0 : i32
        %dma_start3A_79 = tpu.memref_slice %arg7[%dma_start3A_77, %dma_start3A_78] : memref<1024x32xf32, #tpu.memory_space<vmem>> -> memref<128x32xf32, #tpu.memory_space<vmem>>
        tpu.enqueue_dma source(%dma_start3A_79 : memref<128x32xf32, #tpu.memory_space<vmem>>) target(%dma_start3A_76 : memref<128x32xf32, #tpu.memory_space<vmem_shared>>) target_semaphore(%run_scoped3A_70 : memref<!tpu.dma_semaphore, #tpu.memory_space<semaphore_mem>>)
        %dma_wait3A = arith.constant 512 : i32
        %dma_wait3A_80 = arith.constant 0 : i32
        %dma_wait3A_81 = tpu.memref_slice %arg7[%dma_wait3A, %dma_wait3A_80] : memref<1024x32xf32, #tpu.memory_space<vmem>> -> memref<128x32xf32, #tpu.memory_space<vmem>>
        %dma_wait3A_82 = arith.constant 0 : i32
        %dma_wait3A_83 = tpu.memref_slice %arg9[%add3A_68, %dma_wait3A_82] : memref<10240x32xf32, #tpu.memory_space<vmem_shared>> -> memref<128x32xf32, #tpu.memory_space<vmem_shared>>
        %dma_wait3A_84 = arith.constant 0 : i32
        %dma_wait3A_85 = tpu.memref_slice %arg9[%add3A_68, %dma_wait3A_84] : memref<10240x32xf32, #tpu.memory_space<vmem_shared>> -> memref<128x32xf32, #tpu.memory_space<vmem_shared>>
        %dma_wait3A_86 = arith.constant 512 : i32
        %dma_wait3A_87 = arith.constant 0 : i32
        %dma_wait3A_88 = tpu.memref_slice %arg7[%dma_wait3A_86, %dma_wait3A_87] : memref<1024x32xf32, #tpu.memory_space<vmem>> -> memref<128x32xf32, #tpu.memory_space<vmem>>
        tpu.wait_dma2 semaphore(%run_scoped3A_70 : memref<!tpu.dma_semaphore, #tpu.memory_space<semaphore_mem>>) src(%dma_wait3A_88 : memref<128x32xf32, #tpu.memory_space<vmem>>) dst(%dma_wait3A_85 : memref<128x32xf32, #tpu.memory_space<vmem_shared>>)
        tpu.yield
      }) : () -> ()
      %scan3A_69 = arith.constant 0 : i32
      scf.yield %scan3A_69 : i32
    }
    %scan3A_42 = arith.constant 5 : i32
    %barrier3A_43 = arith.constant 0 : index
    tpu.barrier barrier_id(%barrier3A_43)
    %scan3A_44 = arith.constant 0 : i32
    %scan3A_45 = arith.constant 0 : i32
    %scan3A_46 = arith.constant 10 : i32
    %scan3A_47 = arith.addi %scan3A_45, %scan3A_46 : i32
    %scan3A_48 = arith.constant 1 : i32
    %scan3A_49 = scf.for %scan3A_51 = %scan3A_45 to %scan3A_47 step %scan3A_48 iter_args(%scan3A_52 = %scan3A_44) -> (i32)  : i32 {
      %dma_start3A = arith.constant 0 : i32
      %dma_start3A_53 = arith.constant 0 : i32
      %dma_start3A_54 = arith.constant 0 : i32
      %dma_start3A_55 = arith.constant 0 : i32
      %dma_start3A_56 = tpu.memref_slice %arg7[%dma_start3A_54, %dma_start3A_55] : memref<1024x32xf32, #tpu.memory_space<vmem>> -> memref<256x32xf32, #tpu.memory_space<vmem>>
      %dma_start3A_57 = arith.constant 0 : i32
      %dma_start3A_58 = tpu.memref_slice %arg5[%dma_start3A, %dma_start3A_57] : memref<80x256xi32, #tpu.memory_space<vmem>> -> memref<1x256xi32, #tpu.memory_space<vmem>>
      %dma_start3A_59 = tpu.memref_squeeze %dma_start3A_58 : memref<1x256xi32, #tpu.memory_space<vmem>> -> memref<256xi32, #tpu.memory_space<vmem>>
      %dma_start3A_60 = arith.constant 0 : i32
      %dma_start3A_61 = arith.constant 0 : i32
      %dma_start3A_62 = tpu.memref_slice %arg10[%dma_start3A_60, %dma_start3A_61] : memref<10240x32xf32, #tpu.memory_space<vmem_shared>> -> memref<10240x32xf32, #tpu.memory_space<vmem_shared>>
      %dma_start3A_63 = tpu.memref_slice %arg11[%dma_start3A_53] : memref<4x!tpu.dma_semaphore, #tpu.memory_space<semaphore_mem>> -> memref<1x!tpu.dma_semaphore, #tpu.memory_space<semaphore_mem>>
      %dma_start3A_64 = tpu.memref_squeeze %dma_start3A_63 : memref<1x!tpu.dma_semaphore, #tpu.memory_space<semaphore_mem>> -> memref<!tpu.dma_semaphore, #tpu.memory_space<semaphore_mem>>
      tpu.enqueue_indirect_dma source(%dma_start3A_62 : memref<10240x32xf32, #tpu.memory_space<vmem_shared>>) target(%dma_start3A_56 : memref<256x32xf32, #tpu.memory_space<vmem>>) offsets(%dma_start3A_59 : memref<256xi32, #tpu.memory_space<vmem>>) semaphore(%dma_start3A_64 : memref<!tpu.dma_semaphore, #tpu.memory_space<semaphore_mem>>)
      %dma_start3A_65 = arith.constant 1 : i32
      %dma_start3A_66 = arith.constant 1 : i32
      %dma_start3A_67 = arith.constant 256 : i32
      %dma_start3A_68 = arith.constant 0 : i32
      %dma_start3A_69 = tpu.memref_slice %arg7[%dma_start3A_67, %dma_start3A_68] : memref<1024x32xf32, #tpu.memory_space<vmem>> -> memref<256x32xf32, #tpu.memory_space<vmem>>
      %dma_start3A_70 = arith.constant 0 : i32
      %dma_start3A_71 = tpu.memref_slice %arg5[%dma_start3A_65, %dma_start3A_70] : memref<80x256xi32, #tpu.memory_space<vmem>> -> memref<1x256xi32, #tpu.memory_space<vmem>>
      %dma_start3A_72 = tpu.memref_squeeze %dma_start3A_71 : memref<1x256xi32, #tpu.memory_space<vmem>> -> memref<256xi32, #tpu.memory_space<vmem>>
      %dma_start3A_73 = arith.constant 0 : i32
      %dma_start3A_74 = arith.constant 0 : i32
      %dma_start3A_75 = tpu.memref_slice %arg10[%dma_start3A_73, %dma_start3A_74] : memref<10240x32xf32, #tpu.memory_space<vmem_shared>> -> memref<10240x32xf32, #tpu.memory_space<vmem_shared>>
      %dma_start3A_76 = tpu.memref_slice %arg11[%dma_start3A_66] : memref<4x!tpu.dma_semaphore, #tpu.memory_space<semaphore_mem>> -> memref<1x!tpu.dma_semaphore, #tpu.memory_space<semaphore_mem>>
      %dma_start3A_77 = tpu.memref_squeeze %dma_start3A_76 : memref<1x!tpu.dma_semaphore, #tpu.memory_space<semaphore_mem>> -> memref<!tpu.dma_semaphore, #tpu.memory_space<semaphore_mem>>
      tpu.enqueue_indirect_dma source(%dma_start3A_75 : memref<10240x32xf32, #tpu.memory_space<vmem_shared>>) target(%dma_start3A_69 : memref<256x32xf32, #tpu.memory_space<vmem>>) offsets(%dma_start3A_72 : memref<256xi32, #tpu.memory_space<vmem>>) semaphore(%dma_start3A_77 : memref<!tpu.dma_semaphore, #tpu.memory_space<semaphore_mem>>)
      %dma_start3A_78 = arith.constant 2 : i32
      %dma_start3A_79 = arith.constant 2 : i32
      %dma_start3A_80 = arith.constant 512 : i32
      %dma_start3A_81 = arith.constant 0 : i32
      %dma_start3A_82 = tpu.memref_slice %arg7[%dma_start3A_80, %dma_start3A_81] : memref<1024x32xf32, #tpu.memory_space<vmem>> -> memref<256x32xf32, #tpu.memory_space<vmem>>
      %dma_start3A_83 = arith.constant 0 : i32
      %dma_start3A_84 = tpu.memref_slice %arg5[%dma_start3A_78, %dma_start3A_83] : memref<80x256xi32, #tpu.memory_space<vmem>> -> memref<1x256xi32, #tpu.memory_space<vmem>>
      %dma_start3A_85 = tpu.memref_squeeze %dma_start3A_84 : memref<1x256xi32, #tpu.memory_space<vmem>> -> memref<256xi32, #tpu.memory_space<vmem>>
      %dma_start3A_86 = arith.constant 0 : i32
      %dma_start3A_87 = arith.constant 0 : i32
      %dma_start3A_88 = tpu.memref_slice %arg10[%dma_start3A_86, %dma_start3A_87] : memref<10240x32xf32, #tpu.memory_space<vmem_shared>> -> memref<10240x32xf32, #tpu.memory_space<vmem_shared>>
      %dma_start3A_89 = tpu.memref_slice %arg11[%dma_start3A_79] : memref<4x!tpu.dma_semaphore, #tpu.memory_space<semaphore_mem>> -> memref<1x!tpu.dma_semaphore, #tpu.memory_space<semaphore_mem>>
      %dma_start3A_90 = tpu.memref_squeeze %dma_start3A_89 : memref<1x!tpu.dma_semaphore, #tpu.memory_space<semaphore_mem>> -> memref<!tpu.dma_semaphore, #tpu.memory_space<semaphore_mem>>
      tpu.enqueue_indirect_dma source(%dma_start3A_88 : memref<10240x32xf32, #tpu.memory_space<vmem_shared>>) target(%dma_start3A_82 : memref<256x32xf32, #tpu.memory_space<vmem>>) offsets(%dma_start3A_85 : memref<256xi32, #tpu.memory_space<vmem>>) semaphore(%dma_start3A_90 : memref<!tpu.dma_semaphore, #tpu.memory_space<semaphore_mem>>)
      %scan3A_91 = arith.constant 0 : i32
      %scan3A_92 = arith.constant 0 : i32
      %scan3A_93 = arith.constant 80 : i32
      %scan3A_94 = arith.addi %scan3A_92, %scan3A_93 : i32
      %scan3A_95 = arith.constant 1 : i32
      %scan3A_96 = scf.for %scan3A_115 = %scan3A_92 to %scan3A_94 step %scan3A_95 iter_args(%scan3A_116 = %scan3A_91) -> (i32)  : i32 {
        %jit3A = arith.constant 4 : i32
        %eq3A = arith.constant 0 : i32
        %eq3A_117 = arith.cmpi eq, %jit3A, %eq3A : i32
        %jit3A_118 = arith.constant 1 : i32
        %select_n3A = arith.select %eq3A_117, %jit3A_118, %jit3A : i32
        %rem3A = arith.remsi %scan3A_115, %select_n3A : i32
        %ne3A = arith.constant 0 : i32
        %ne3A_119 = arith.cmpi ne, %rem3A, %ne3A : i32
        %lt3A = arith.constant 0 : i32
        %lt3A_120 = arith.cmpi slt, %rem3A, %lt3A : i32
        %lt3A_121 = arith.constant 0 : i32
        %lt3A_122 = arith.cmpi slt, %select_n3A, %lt3A_121 : i32
        %ne3A_123 = arith.xori %lt3A_120, %lt3A_122 : i1
        %and3A = arith.andi %ne3A_123, %ne3A_119 : i1
        %add3A = arith.addi %rem3A, %select_n3A : i32
        %select_n3A_124 = arith.select %and3A, %add3A, %rem3A : i32
        %mul3A_125 = arith.constant 256 : i32
        %mul3A_126 = arith.muli %select_n3A_124, %mul3A_125 : i32
        %dma_wait3A = arith.constant 0 : i32
        %dma_wait3A_127 = tpu.memref_slice %arg7[%mul3A_126, %dma_wait3A] : memref<1024x32xf32, #tpu.memory_space<vmem>> -> memref<256x32xf32, #tpu.memory_space<vmem>>
        %dma_wait3A_128 = arith.constant 0 : i32
        %dma_wait3A_129 = tpu.memref_slice %arg5[%scan3A_115, %dma_wait3A_128] : memref<80x256xi32, #tpu.memory_space<vmem>> -> memref<1x256xi32, #tpu.memory_space<vmem>>
        %dma_wait3A_130 = tpu.memref_squeeze %dma_wait3A_129 : memref<1x256xi32, #tpu.memory_space<vmem>> -> memref<256xi32, #tpu.memory_space<vmem>>
        %dma_wait3A_131 = arith.constant 0 : i32
        %dma_wait3A_132 = arith.constant 0 : i32
        %dma_wait3A_133 = tpu.memref_slice %arg10[%dma_wait3A_131, %dma_wait3A_132] : memref<10240x32xf32, #tpu.memory_space<vmem_shared>> -> memref<10240x32xf32, #tpu.memory_space<vmem_shared>>
        %dma_wait3A_134 = tpu.memref_slice %arg11[%select_n3A_124] : memref<4x!tpu.dma_semaphore, #tpu.memory_space<semaphore_mem>> -> memref<1x!tpu.dma_semaphore, #tpu.memory_space<semaphore_mem>>
        %dma_wait3A_135 = tpu.memref_squeeze %dma_wait3A_134 : memref<1x!tpu.dma_semaphore, #tpu.memory_space<semaphore_mem>> -> memref<!tpu.dma_semaphore, #tpu.memory_space<semaphore_mem>>
        tpu.wait_indirect_dma semaphore(%dma_wait3A_135 : memref<!tpu.dma_semaphore, #tpu.memory_space<semaphore_mem>>) src(%dma_wait3A_133 : memref<10240x32xf32, #tpu.memory_space<vmem_shared>>) dst(%dma_wait3A_127 : memref<256x32xf32, #tpu.memory_space<vmem>>)
        %dma_start3A_136 = arith.constant 0 : i32
        %dma_start3A_137 = tpu.memref_slice %arg7[%mul3A_126, %dma_start3A_136] : memref<1024x32xf32, #tpu.memory_space<vmem>> -> memref<256x32xf32, #tpu.memory_space<vmem>>
        %dma_start3A_138 = arith.constant 0 : i32
        %dma_start3A_139 = tpu.memref_slice %arg6[%scan3A_115, %dma_start3A_138] : memref<80x256xi32, #tpu.memory_space<vmem>> -> memref<1x256xi32, #tpu.memory_space<vmem>>
        %dma_start3A_140 = tpu.memref_squeeze %dma_start3A_139 : memref<1x256xi32, #tpu.memory_space<vmem>> -> memref<256xi32, #tpu.memory_space<vmem>>
        %dma_start3A_141 = arith.constant 0 : i32
        %dma_start3A_142 = arith.constant 0 : i32
        %dma_start3A_143 = tpu.memref_slice %arg9[%dma_start3A_141, %dma_start3A_142] : memref<10240x32xf32, #tpu.memory_space<vmem_shared>> -> memref<10240x32xf32, #tpu.memory_space<vmem_shared>>
        %dma_start3A_144 = tpu.memref_slice %arg12[%select_n3A_124] : memref<4x!tpu.dma_semaphore, #tpu.memory_space<semaphore_mem>> -> memref<1x!tpu.dma_semaphore, #tpu.memory_space<semaphore_mem>>
        %dma_start3A_145 = tpu.memref_squeeze %dma_start3A_144 : memref<1x!tpu.dma_semaphore, #tpu.memory_space<semaphore_mem>> -> memref<!tpu.dma_semaphore, #tpu.memory_space<semaphore_mem>>
        tpu.enqueue_indirect_dma source(%dma_start3A_137 : memref<256x32xf32, #tpu.memory_space<vmem>>) target(%dma_start3A_143 : memref<10240x32xf32, #tpu.memory_space<vmem_shared>>) offsets(%dma_start3A_140 : memref<256xi32, #tpu.memory_space<vmem>>) semaphore(%dma_start3A_145 : memref<!tpu.dma_semaphore, #tpu.memory_space<semaphore_mem>>) {add = true}
        %add3A_146 = arith.constant 3 : i32
        %add3A_147 = arith.addi %scan3A_115, %add3A_146 : i32
        %jit3A_148 = arith.constant 4 : i32
        %eq3A_149 = arith.constant 0 : i32
        %eq3A_150 = arith.cmpi eq, %jit3A_148, %eq3A_149 : i32
        %jit3A_151 = arith.constant 1 : i32
        %select_n3A_152 = arith.select %eq3A_150, %jit3A_151, %jit3A_148 : i32
        %rem3A_153 = arith.remsi %add3A_147, %select_n3A_152 : i32
        %ne3A_154 = arith.constant 0 : i32
        %ne3A_155 = arith.cmpi ne, %rem3A_153, %ne3A_154 : i32
        %lt3A_156 = arith.constant 0 : i32
        %lt3A_157 = arith.cmpi slt, %rem3A_153, %lt3A_156 : i32
        %lt3A_158 = arith.constant 0 : i32
        %lt3A_159 = arith.cmpi slt, %select_n3A_152, %lt3A_158 : i32
        %ne3A_160 = arith.xori %lt3A_157, %lt3A_159 : i1
        %and3A_161 = arith.andi %ne3A_160, %ne3A_155 : i1
        %add3A_162 = arith.addi %rem3A_153, %select_n3A_152 : i32
        %select_n3A_163 = arith.select %and3A_161, %add3A_162, %rem3A_153 : i32
        %mul3A_164 = arith.constant 256 : i32
        %mul3A_165 = arith.muli %select_n3A_163, %mul3A_164 : i32
        %lt3A_166 = arith.constant 80 : i32
        %lt3A_167 = arith.cmpi slt, %add3A_147, %lt3A_166 : i32
        %convert_element_type3A = arith.extui %lt3A_167 : i1 to i32
        %cond3A = arith.constant 0 : i32
        %cond3A_168 = arith.cmpi ne, %convert_element_type3A, %cond3A : i32
        scf.if %cond3A_168 {
          %ge3A = arith.constant 4 : i32
          %ge3A_170 = arith.cmpi sge, %add3A_147, %ge3A : i32
          %convert_element_type3A_171 = arith.extui %ge3A_170 : i1 to i32
          %cond3A_172 = arith.constant 0 : i32
          %cond3A_173 = arith.cmpi ne, %convert_element_type3A_171, %cond3A_172 : i32
          scf.if %cond3A_173 {
            %sub3A = arith.constant 4 : i32
            %sub3A_184 = arith.subi %add3A_147, %sub3A : i32
            %dma_wait3A_185 = arith.constant 0 : i32
            %dma_wait3A_186 = tpu.memref_slice %arg7[%mul3A_165, %dma_wait3A_185] : memref<1024x32xf32, #tpu.memory_space<vmem>> -> memref<256x32xf32, #tpu.memory_space<vmem>>
            %dma_wait3A_187 = arith.constant 0 : i32
            %dma_wait3A_188 = tpu.memref_slice %arg6[%sub3A_184, %dma_wait3A_187] : memref<80x256xi32, #tpu.memory_space<vmem>> -> memref<1x256xi32, #tpu.memory_space<vmem>>
            %dma_wait3A_189 = tpu.memref_squeeze %dma_wait3A_188 : memref<1x256xi32, #tpu.memory_space<vmem>> -> memref<256xi32, #tpu.memory_space<vmem>>
            %dma_wait3A_190 = arith.constant 0 : i32
            %dma_wait3A_191 = arith.constant 0 : i32
            %dma_wait3A_192 = tpu.memref_slice %arg9[%dma_wait3A_190, %dma_wait3A_191] : memref<10240x32xf32, #tpu.memory_space<vmem_shared>> -> memref<10240x32xf32, #tpu.memory_space<vmem_shared>>
            %dma_wait3A_193 = tpu.memref_slice %arg12[%select_n3A_163] : memref<4x!tpu.dma_semaphore, #tpu.memory_space<semaphore_mem>> -> memref<1x!tpu.dma_semaphore, #tpu.memory_space<semaphore_mem>>
            %dma_wait3A_194 = tpu.memref_squeeze %dma_wait3A_193 : memref<1x!tpu.dma_semaphore, #tpu.memory_space<semaphore_mem>> -> memref<!tpu.dma_semaphore, #tpu.memory_space<semaphore_mem>>
            tpu.wait_indirect_dma semaphore(%dma_wait3A_194 : memref<!tpu.dma_semaphore, #tpu.memory_space<semaphore_mem>>) src(%dma_wait3A_186 : memref<256x32xf32, #tpu.memory_space<vmem>>) dst(%dma_wait3A_192 : memref<10240x32xf32, #tpu.memory_space<vmem_shared>>)
          } else {
          }
          %dma_start3A_174 = arith.constant 0 : i32
          %dma_start3A_175 = tpu.memref_slice %arg7[%mul3A_165, %dma_start3A_174] : memref<1024x32xf32, #tpu.memory_space<vmem>> -> memref<256x32xf32, #tpu.memory_space<vmem>>
          %dma_start3A_176 = arith.constant 0 : i32
          %dma_start3A_177 = tpu.memref_slice %arg5[%add3A_147, %dma_start3A_176] : memref<80x256xi32, #tpu.memory_space<vmem>> -> memref<1x256xi32, #tpu.memory_space<vmem>>
          %dma_start3A_178 = tpu.memref_squeeze %dma_start3A_177 : memref<1x256xi32, #tpu.memory_space<vmem>> -> memref<256xi32, #tpu.memory_space<vmem>>
          %dma_start3A_179 = arith.constant 0 : i32
          %dma_start3A_180 = arith.constant 0 : i32
          %dma_start3A_181 = tpu.memref_slice %arg10[%dma_start3A_179, %dma_start3A_180] : memref<10240x32xf32, #tpu.memory_space<vmem_shared>> -> memref<10240x32xf32, #tpu.memory_space<vmem_shared>>
          %dma_start3A_182 = tpu.memref_slice %arg11[%select_n3A_163] : memref<4x!tpu.dma_semaphore, #tpu.memory_space<semaphore_mem>> -> memref<1x!tpu.dma_semaphore, #tpu.memory_space<semaphore_mem>>
          %dma_start3A_183 = tpu.memref_squeeze %dma_start3A_182 : memref<1x!tpu.dma_semaphore, #tpu.memory_space<semaphore_mem>> -> memref<!tpu.dma_semaphore, #tpu.memory_space<semaphore_mem>>
          tpu.enqueue_indirect_dma source(%dma_start3A_181 : memref<10240x32xf32, #tpu.memory_space<vmem_shared>>) target(%dma_start3A_175 : memref<256x32xf32, #tpu.memory_space<vmem>>) offsets(%dma_start3A_178 : memref<256xi32, #tpu.memory_space<vmem>>) semaphore(%dma_start3A_183 : memref<!tpu.dma_semaphore, #tpu.memory_space<semaphore_mem>>)
        } else {
        }
        %scan3A_169 = arith.constant 0 : i32
        scf.yield %scan3A_169 : i32
      }
      %scan3A_97 = arith.constant 80 : i32
      %scan3A_98 = arith.constant 0 : i32
      %scan3A_99 = arith.constant 0 : i32
      %scan3A_100 = arith.constant 4 : i32
      %scan3A_101 = arith.addi %scan3A_99, %scan3A_100 : i32
      %scan3A_102 = arith.constant 1 : i32
      %scan3A_103 = scf.for %scan3A_115 = %scan3A_99 to %scan3A_101 step %scan3A_102 iter_args(%scan3A_116 = %scan3A_98) -> (i32)  : i32 {
        %add3A = arith.constant 76 : i32
        %add3A_117 = arith.addi %add3A, %scan3A_115 : i32
        %jit3A = arith.constant 4 : i32
        %eq3A = arith.constant 0 : i32
        %eq3A_118 = arith.cmpi eq, %jit3A, %eq3A : i32
        %jit3A_119 = arith.constant 1 : i32
        %select_n3A = arith.select %eq3A_118, %jit3A_119, %jit3A : i32
        %rem3A = arith.remsi %add3A_117, %select_n3A : i32
        %ne3A = arith.constant 0 : i32
        %ne3A_120 = arith.cmpi ne, %rem3A, %ne3A : i32
        %lt3A = arith.constant 0 : i32
        %lt3A_121 = arith.cmpi slt, %rem3A, %lt3A : i32
        %lt3A_122 = arith.constant 0 : i32
        %lt3A_123 = arith.cmpi slt, %select_n3A, %lt3A_122 : i32
        %ne3A_124 = arith.xori %lt3A_121, %lt3A_123 : i1
        %and3A = arith.andi %ne3A_124, %ne3A_120 : i1
        %add3A_125 = arith.addi %rem3A, %select_n3A : i32
        %select_n3A_126 = arith.select %and3A, %add3A_125, %rem3A : i32
        %mul3A_127 = arith.constant 256 : i32
        %mul3A_128 = arith.muli %select_n3A_126, %mul3A_127 : i32
        %dma_wait3A = arith.constant 0 : i32
        %dma_wait3A_129 = tpu.memref_slice %arg7[%mul3A_128, %dma_wait3A] : memref<1024x32xf32, #tpu.memory_space<vmem>> -> memref<256x32xf32, #tpu.memory_space<vmem>>
        %dma_wait3A_130 = arith.constant 0 : i32
        %dma_wait3A_131 = tpu.memref_slice %arg6[%add3A_117, %dma_wait3A_130] : memref<80x256xi32, #tpu.memory_space<vmem>> -> memref<1x256xi32, #tpu.memory_space<vmem>>
        %dma_wait3A_132 = tpu.memref_squeeze %dma_wait3A_131 : memref<1x256xi32, #tpu.memory_space<vmem>> -> memref<256xi32, #tpu.memory_space<vmem>>
        %dma_wait3A_133 = arith.constant 0 : i32
        %dma_wait3A_134 = arith.constant 0 : i32
        %dma_wait3A_135 = tpu.memref_slice %arg9[%dma_wait3A_133, %dma_wait3A_134] : memref<10240x32xf32, #tpu.memory_space<vmem_shared>> -> memref<10240x32xf32, #tpu.memory_space<vmem_shared>>
        %dma_wait3A_136 = tpu.memref_slice %arg12[%select_n3A_126] : memref<4x!tpu.dma_semaphore, #tpu.memory_space<semaphore_mem>> -> memref<1x!tpu.dma_semaphore, #tpu.memory_space<semaphore_mem>>
        %dma_wait3A_137 = tpu.memref_squeeze %dma_wait3A_136 : memref<1x!tpu.dma_semaphore, #tpu.memory_space<semaphore_mem>> -> memref<!tpu.dma_semaphore, #tpu.memory_space<semaphore_mem>>
        tpu.wait_indirect_dma semaphore(%dma_wait3A_137 : memref<!tpu.dma_semaphore, #tpu.memory_space<semaphore_mem>>) src(%dma_wait3A_129 : memref<256x32xf32, #tpu.memory_space<vmem>>) dst(%dma_wait3A_135 : memref<10240x32xf32, #tpu.memory_space<vmem_shared>>)
        %scan3A_138 = arith.constant 0 : i32
        scf.yield %scan3A_138 : i32
      }
      %scan3A_104 = arith.constant 4 : i32
      %barrier3A_105 = arith.constant 0 : index
      tpu.barrier barrier_id(%barrier3A_105)
      %scan3A_106 = arith.constant 0 : i32
      %scan3A_107 = arith.constant 0 : i32
      %scan3A_108 = arith.constant 5 : i32
      %scan3A_109 = arith.addi %scan3A_107, %scan3A_108 : i32
      %scan3A_110 = arith.constant 1 : i32
      %scan3A_111 = scf.for %scan3A_115 = %scan3A_107 to %scan3A_109 step %scan3A_110 iter_args(%scan3A_116 = %scan3A_106) -> (i32)  : i32 {
        %mul3A_117 = arith.constant 128 : i32
        %mul3A_118 = arith.muli %scan3A_115, %mul3A_117 : i32
        %add3A = arith.addi %mul3A_0, %mul3A_118 : i32
        "tpu.region"() ({
          %run_scoped3A_131 = tpu.sem_alloc : memref<!tpu.dma_semaphore, #tpu.memory_space<semaphore_mem>>
          %dma_start3A_132 = arith.constant 0 : i32
          %dma_start3A_133 = arith.constant 0 : i32
          %dma_start3A_134 = tpu.memref_slice %arg7[%dma_start3A_132, %dma_start3A_133] : memref<1024x32xf32, #tpu.memory_space<vmem>> -> memref<128x32xf32, #tpu.memory_space<vmem>>
          %dma_start3A_135 = arith.constant 0 : i32
          %dma_start3A_136 = tpu.memref_slice %arg9[%add3A, %dma_start3A_135] : memref<10240x32xf32, #tpu.memory_space<vmem_shared>> -> memref<128x32xf32, #tpu.memory_space<vmem_shared>>
          %dma_start3A_137 = arith.constant 0 : i32
          %dma_start3A_138 = arith.constant 0 : i32
          %dma_start3A_139 = tpu.memref_slice %arg7[%dma_start3A_137, %dma_start3A_138] : memref<1024x32xf32, #tpu.memory_space<vmem>> -> memref<128x32xf32, #tpu.memory_space<vmem>>
          %dma_start3A_140 = arith.constant 0 : i32
          %dma_start3A_141 = tpu.memref_slice %arg9[%add3A, %dma_start3A_140] : memref<10240x32xf32, #tpu.memory_space<vmem_shared>> -> memref<128x32xf32, #tpu.memory_space<vmem_shared>>
          tpu.enqueue_dma source(%dma_start3A_141 : memref<128x32xf32, #tpu.memory_space<vmem_shared>>) target(%dma_start3A_139 : memref<128x32xf32, #tpu.memory_space<vmem>>) target_semaphore(%run_scoped3A_131 : memref<!tpu.dma_semaphore, #tpu.memory_space<semaphore_mem>>)
          %dma_wait3A = arith.constant 0 : i32
          %dma_wait3A_142 = arith.constant 0 : i32
          %dma_wait3A_143 = tpu.memref_slice %arg7[%dma_wait3A, %dma_wait3A_142] : memref<1024x32xf32, #tpu.memory_space<vmem>> -> memref<128x32xf32, #tpu.memory_space<vmem>>
          %dma_wait3A_144 = arith.constant 0 : i32
          %dma_wait3A_145 = tpu.memref_slice %arg9[%add3A, %dma_wait3A_144] : memref<10240x32xf32, #tpu.memory_space<vmem_shared>> -> memref<128x32xf32, #tpu.memory_space<vmem_shared>>
          %dma_wait3A_146 = arith.constant 0 : i32
          %dma_wait3A_147 = arith.constant 0 : i32
          %dma_wait3A_148 = tpu.memref_slice %arg7[%dma_wait3A_146, %dma_wait3A_147] : memref<1024x32xf32, #tpu.memory_space<vmem>> -> memref<128x32xf32, #tpu.memory_space<vmem>>
          %dma_wait3A_149 = arith.constant 0 : i32
          %dma_wait3A_150 = tpu.memref_slice %arg9[%add3A, %dma_wait3A_149] : memref<10240x32xf32, #tpu.memory_space<vmem_shared>> -> memref<128x32xf32, #tpu.memory_space<vmem_shared>>
          tpu.wait_dma2 semaphore(%run_scoped3A_131 : memref<!tpu.dma_semaphore, #tpu.memory_space<semaphore_mem>>) src(%dma_wait3A_150 : memref<128x32xf32, #tpu.memory_space<vmem_shared>>) dst(%dma_wait3A_148 : memref<128x32xf32, #tpu.memory_space<vmem>>)
          tpu.yield
        }) : () -> ()
        %scan3A_119 = arith.constant 0 : i32
        %scan3A_120 = arith.constant 0 : i32
        %scan3A_121 = arith.constant 128 : i32
        %scan3A_122 = arith.addi %scan3A_120, %scan3A_121 : i32
        %scan3A_123 = arith.constant 1 : i32
        %scan3A_124 = scf.for %scan3A_131 = %scan3A_120 to %scan3A_122 step %scan3A_123 iter_args(%scan3A_132 = %scan3A_119) -> (i32)  : i32 {
          %mul3A_133 = arith.constant 128 : i32
          %mul3A_134 = arith.muli %scan3A_115, %mul3A_133 : i32
          %add3A_135 = arith.addi %mul3A_134, %scan3A_131 : i32
          %get3A = arith.index_cast %add3A_135 : i32 to index
          %get3A_136 = arith.constant 0 : index
          %get3A_137 = tpu.vector_load %arg8[%get3A, %get3A_136] {strides = array<i32>} : memref<640x16xf32, #tpu.memory_space<vmem>>, vector<1x16xf32>,
          %get3A_138 = vector.shape_cast %get3A_137 : vector<1x16xf32> to vector<16xf32>
          %mul3A_139 = arith.mulf %get3A_138, %get3A_138 : vector<16xf32>
          %get3A_140 = arith.constant 0 : i32
          %get3A_141 = arith.constant 0 : i32
          %get3A_142 = tpu.memref_slice %arg7[%get3A_140, %get3A_141] : memref<1024x32xf32, #tpu.memory_space<vmem>> -> memref<128x32xf32, #tpu.memory_space<vmem>>
          %get3A_143 = arith.index_cast %scan3A_131 : i32 to index
          %get3A_144 = arith.constant 0 : index
          %get3A_145 = tpu.vector_load %get3A_142[%get3A_143, %get3A_144] {strides = array<i32>} : memref<128x32xf32, #tpu.memory_space<vmem>>, vector<1x16xf32>,
          %get3A_146 = vector.shape_cast %get3A_145 : vector<1x16xf32> to vector<16xf32>
          %mul3A_147 = arith.mulf %get3A_146, %get3A_138 : vector<16xf32>
          %swap3A = arith.constant 256 : i32
          %swap3A_148 = arith.constant 0 : i32
          %swap3A_149 = tpu.memref_slice %arg7[%swap3A, %swap3A_148] : memref<1024x32xf32, #tpu.memory_space<vmem>> -> memref<128x32xf32, #tpu.memory_space<vmem>>
          %swap3A_150 = arith.index_cast %scan3A_131 : i32 to index
          %swap3A_151 = arith.constant 0 : index
          %swap3A_152 = tpu.vector_load %swap3A_149[%swap3A_150, %swap3A_151] {strides = array<i32>} : memref<128x32xf32, #tpu.memory_space<vmem>>, vector<1x16xf32>,
          %swap3A_153 = vector.shape_cast %swap3A_152 : vector<1x16xf32> to vector<16xf32>
          %swap3A_154 = vector.shape_cast %mul3A_147 : vector<16xf32> to vector<1x16xf32>
          tpu.vector_store %swap3A_149[%swap3A_150, %swap3A_151], %swap3A_154 {strides = array<i32>} : memref<128x32xf32, #tpu.memory_space<vmem>>, vector<1x16xf32>,
          %mul3A_155 = arith.mulf %get3A_146, %mul3A_139 : vector<16xf32>
          %swap3A_156 = arith.constant 512 : i32
          %swap3A_157 = arith.constant 0 : i32
          %swap3A_158 = tpu.memref_slice %arg7[%swap3A_156, %swap3A_157] : memref<1024x32xf32, #tpu.memory_space<vmem>> -> memref<128x32xf32, #tpu.memory_space<vmem>>
          %swap3A_159 = arith.index_cast %scan3A_131 : i32 to index
          %swap3A_160 = arith.constant 0 : index
          %swap3A_161 = tpu.vector_load %swap3A_158[%swap3A_159, %swap3A_160] {strides = array<i32>} : memref<128x32xf32, #tpu.memory_space<vmem>>, vector<1x16xf32>,
          %swap3A_162 = vector.shape_cast %swap3A_161 : vector<1x16xf32> to vector<16xf32>
          %swap3A_163 = vector.shape_cast %mul3A_155 : vector<16xf32> to vector<1x16xf32>
          tpu.vector_store %swap3A_158[%swap3A_159, %swap3A_160], %swap3A_163 {strides = array<i32>} : memref<128x32xf32, #tpu.memory_space<vmem>>, vector<1x16xf32>,
          %get3A_164 = arith.constant 0 : i32
          %get3A_165 = arith.constant 0 : i32
          %get3A_166 = tpu.memref_slice %arg7[%get3A_164, %get3A_165] : memref<1024x32xf32, #tpu.memory_space<vmem>> -> memref<128x32xf32, #tpu.memory_space<vmem>>
          %get3A_167 = arith.index_cast %scan3A_131 : i32 to index
          %get3A_168 = arith.constant 16 : index
          %get3A_169 = tpu.vector_load %get3A_166[%get3A_167, %get3A_168] {strides = array<i32>} : memref<128x32xf32, #tpu.memory_space<vmem>>, vector<1x16xf32>,
          %get3A_170 = vector.shape_cast %get3A_169 : vector<1x16xf32> to vector<16xf32>
          %mul3A_171 = arith.mulf %get3A_170, %get3A_138 : vector<16xf32>
          %swap3A_172 = arith.constant 256 : i32
          %swap3A_173 = arith.constant 0 : i32
          %swap3A_174 = tpu.memref_slice %arg7[%swap3A_172, %swap3A_173] : memref<1024x32xf32, #tpu.memory_space<vmem>> -> memref<128x32xf32, #tpu.memory_space<vmem>>
          %swap3A_175 = arith.index_cast %scan3A_131 : i32 to index
          %swap3A_176 = arith.constant 16 : index
          %swap3A_177 = tpu.vector_load %swap3A_174[%swap3A_175, %swap3A_176] {strides = array<i32>} : memref<128x32xf32, #tpu.memory_space<vmem>>, vector<1x16xf32>,
          %swap3A_178 = vector.shape_cast %swap3A_177 : vector<1x16xf32> to vector<16xf32>
          %swap3A_179 = vector.shape_cast %mul3A_171 : vector<16xf32> to vector<1x16xf32>
          tpu.vector_store %swap3A_174[%swap3A_175, %swap3A_176], %swap3A_179 {strides = array<i32>} : memref<128x32xf32, #tpu.memory_space<vmem>>, vector<1x16xf32>,
          %mul3A_180 = arith.mulf %get3A_170, %mul3A_139 : vector<16xf32>
          %swap3A_181 = arith.constant 512 : i32
          %swap3A_182 = arith.constant 0 : i32
          %swap3A_183 = tpu.memref_slice %arg7[%swap3A_181, %swap3A_182] : memref<1024x32xf32, #tpu.memory_space<vmem>> -> memref<128x32xf32, #tpu.memory_space<vmem>>
          %swap3A_184 = arith.index_cast %scan3A_131 : i32 to index
          %swap3A_185 = arith.constant 16 : index
          %swap3A_186 = tpu.vector_load %swap3A_183[%swap3A_184, %swap3A_185] {strides = array<i32>} : memref<128x32xf32, #tpu.memory_space<vmem>>, vector<1x16xf32>,
          %swap3A_187 = vector.shape_cast %swap3A_186 : vector<1x16xf32> to vector<16xf32>
          %swap3A_188 = vector.shape_cast %mul3A_180 : vector<16xf32> to vector<1x16xf32>
          tpu.vector_store %swap3A_183[%swap3A_184, %swap3A_185], %swap3A_188 {strides = array<i32>} : memref<128x32xf32, #tpu.memory_space<vmem>>, vector<1x16xf32>,
          %scan3A_189 = arith.constant 0 : i32
          scf.yield %scan3A_189 : i32
        }
        %scan3A_125 = arith.constant 128 : i32
        %mul3A_126 = arith.constant 20480 : i32
        %mul3A_127 = arith.muli %scan3A_51, %mul3A_126 : i32
        %add3A_128 = arith.addi %mul3A_127, %mul3A_2 : i32
        %add3A_129 = arith.addi %add3A_128, %add3A : i32
        "tpu.region"() ({
          %run_scoped3A_131 = tpu.sem_alloc : memref<!tpu.dma_semaphore, #tpu.memory_space<semaphore_mem>>
          %dma_start3A_132 = arith.constant 256 : i32
          %dma_start3A_133 = arith.constant 0 : i32
          %dma_start3A_134 = tpu.memref_slice %arg7[%dma_start3A_132, %dma_start3A_133] : memref<1024x32xf32, #tpu.memory_space<vmem>> -> memref<128x32xf32, #tpu.memory_space<vmem>>
          %dma_start3A_135 = arith.constant 0 : i32
          %dma_start3A_136 = tpu.memref_slice %arg4[%add3A_129, %dma_start3A_135] : memref<204800x32xf32, #tpu.memory_space<hbm>> -> memref<128x32xf32, #tpu.memory_space<hbm>>
          %dma_start3A_137 = arith.constant 0 : i32
          %dma_start3A_138 = tpu.memref_slice %arg4[%add3A_129, %dma_start3A_137] : memref<204800x32xf32, #tpu.memory_space<hbm>> -> memref<128x32xf32, #tpu.memory_space<hbm>>
          %dma_start3A_139 = arith.constant 256 : i32
          %dma_start3A_140 = arith.constant 0 : i32
          %dma_start3A_141 = tpu.memref_slice %arg7[%dma_start3A_139, %dma_start3A_140] : memref<1024x32xf32, #tpu.memory_space<vmem>> -> memref<128x32xf32, #tpu.memory_space<vmem>>
          tpu.enqueue_dma source(%dma_start3A_141 : memref<128x32xf32, #tpu.memory_space<vmem>>) target(%dma_start3A_138 : memref<128x32xf32, #tpu.memory_space<hbm>>) target_semaphore(%run_scoped3A_131 : memref<!tpu.dma_semaphore, #tpu.memory_space<semaphore_mem>>)
          %dma_wait3A = arith.constant 256 : i32
          %dma_wait3A_142 = arith.constant 0 : i32
          %dma_wait3A_143 = tpu.memref_slice %arg7[%dma_wait3A, %dma_wait3A_142] : memref<1024x32xf32, #tpu.memory_space<vmem>> -> memref<128x32xf32, #tpu.memory_space<vmem>>
          %dma_wait3A_144 = arith.constant 0 : i32
          %dma_wait3A_145 = tpu.memref_slice %arg4[%add3A_129, %dma_wait3A_144] : memref<204800x32xf32, #tpu.memory_space<hbm>> -> memref<128x32xf32, #tpu.memory_space<hbm>>
          %dma_wait3A_146 = arith.constant 0 : i32
          %dma_wait3A_147 = tpu.memref_slice %arg4[%add3A_129, %dma_wait3A_146] : memref<204800x32xf32, #tpu.memory_space<hbm>> -> memref<128x32xf32, #tpu.memory_space<hbm>>
          %dma_wait3A_148 = arith.constant 256 : i32
          %dma_wait3A_149 = arith.constant 0 : i32
          %dma_wait3A_150 = tpu.memref_slice %arg7[%dma_wait3A_148, %dma_wait3A_149] : memref<1024x32xf32, #tpu.memory_space<vmem>> -> memref<128x32xf32, #tpu.memory_space<vmem>>
          tpu.wait_dma2 semaphore(%run_scoped3A_131 : memref<!tpu.dma_semaphore, #tpu.memory_space<semaphore_mem>>) src(%dma_wait3A_150 : memref<128x32xf32, #tpu.memory_space<vmem>>) dst(%dma_wait3A_147 : memref<128x32xf32, #tpu.memory_space<hbm>>)
          tpu.yield
        }) : () -> ()
        "tpu.region"() ({
          %run_scoped3A_131 = tpu.sem_alloc : memref<!tpu.dma_semaphore, #tpu.memory_space<semaphore_mem>>
          %dma_start3A_132 = arith.constant 512 : i32
          %dma_start3A_133 = arith.constant 0 : i32
          %dma_start3A_134 = tpu.memref_slice %arg7[%dma_start3A_132, %dma_start3A_133] : memref<1024x32xf32, #tpu.memory_space<vmem>> -> memref<128x32xf32, #tpu.memory_space<vmem>>
          %dma_start3A_135 = arith.constant 0 : i32
          %dma_start3A_136 = tpu.memref_slice %arg10[%add3A, %dma_start3A_135] : memref<10240x32xf32, #tpu.memory_space<vmem_shared>> -> memref<128x32xf32, #tpu.memory_space<vmem_shared>>
          %dma_start3A_137 = arith.constant 0 : i32
          %dma_start3A_138 = tpu.memref_slice %arg10[%add3A, %dma_start3A_137] : memref<10240x32xf32, #tpu.memory_space<vmem_shared>> -> memref<128x32xf32, #tpu.memory_space<vmem_shared>>
          %dma_start3A_139 = arith.constant 512 : i32
          %dma_start3A_140 = arith.constant 0 : i32
          %dma_start3A_141 = tpu.memref_slice %arg7[%dma_start3A_139, %dma_start3A_140] : memref<1024x32xf32, #tpu.memory_space<vmem>> -> memref<128x32xf32, #tpu.memory_space<vmem>>
          tpu.enqueue_dma source(%dma_start3A_141 : memref<128x32xf32, #tpu.memory_space<vmem>>) target(%dma_start3A_138 : memref<128x32xf32, #tpu.memory_space<vmem_shared>>) target_semaphore(%run_scoped3A_131 : memref<!tpu.dma_semaphore, #tpu.memory_space<semaphore_mem>>)
          %dma_wait3A = arith.constant 512 : i32
          %dma_wait3A_142 = arith.constant 0 : i32
          %dma_wait3A_143 = tpu.memref_slice %arg7[%dma_wait3A, %dma_wait3A_142] : memref<1024x32xf32, #tpu.memory_space<vmem>> -> memref<128x32xf32, #tpu.memory_space<vmem>>
          %dma_wait3A_144 = arith.constant 0 : i32
          %dma_wait3A_145 = tpu.memref_slice %arg10[%add3A, %dma_wait3A_144] : memref<10240x32xf32, #tpu.memory_space<vmem_shared>> -> memref<128x32xf32, #tpu.memory_space<vmem_shared>>
          %dma_wait3A_146 = arith.constant 0 : i32
          %dma_wait3A_147 = tpu.memref_slice %arg10[%add3A, %dma_wait3A_146] : memref<10240x32xf32, #tpu.memory_space<vmem_shared>> -> memref<128x32xf32, #tpu.memory_space<vmem_shared>>
          %dma_wait3A_148 = arith.constant 512 : i32
          %dma_wait3A_149 = arith.constant 0 : i32
          %dma_wait3A_150 = tpu.memref_slice %arg7[%dma_wait3A_148, %dma_wait3A_149] : memref<1024x32xf32, #tpu.memory_space<vmem>> -> memref<128x32xf32, #tpu.memory_space<vmem>>
          tpu.wait_dma2 semaphore(%run_scoped3A_131 : memref<!tpu.dma_semaphore, #tpu.memory_space<semaphore_mem>>) src(%dma_wait3A_150 : memref<128x32xf32, #tpu.memory_space<vmem>>) dst(%dma_wait3A_147 : memref<128x32xf32, #tpu.memory_space<vmem_shared>>)
          tpu.yield
        }) : () -> ()
        "tpu.region"() ({
          %run_scoped3A_131 = tpu.sem_alloc : memref<!tpu.dma_semaphore, #tpu.memory_space<semaphore_mem>>
          %dma_start3A_132 = arith.constant 512 : i32
          %dma_start3A_133 = arith.constant 0 : i32
          %dma_start3A_134 = tpu.memref_slice %arg7[%dma_start3A_132, %dma_start3A_133] : memref<1024x32xf32, #tpu.memory_space<vmem>> -> memref<128x32xf32, #tpu.memory_space<vmem>>
          %dma_start3A_135 = arith.constant 0 : i32
          %dma_start3A_136 = tpu.memref_slice %arg9[%add3A, %dma_start3A_135] : memref<10240x32xf32, #tpu.memory_space<vmem_shared>> -> memref<128x32xf32, #tpu.memory_space<vmem_shared>>
          %dma_start3A_137 = arith.constant 0 : i32
          %dma_start3A_138 = tpu.memref_slice %arg9[%add3A, %dma_start3A_137] : memref<10240x32xf32, #tpu.memory_space<vmem_shared>> -> memref<128x32xf32, #tpu.memory_space<vmem_shared>>
          %dma_start3A_139 = arith.constant 512 : i32
          %dma_start3A_140 = arith.constant 0 : i32
          %dma_start3A_141 = tpu.memref_slice %arg7[%dma_start3A_139, %dma_start3A_140] : memref<1024x32xf32, #tpu.memory_space<vmem>> -> memref<128x32xf32, #tpu.memory_space<vmem>>
          tpu.enqueue_dma source(%dma_start3A_141 : memref<128x32xf32, #tpu.memory_space<vmem>>) target(%dma_start3A_138 : memref<128x32xf32, #tpu.memory_space<vmem_shared>>) target_semaphore(%run_scoped3A_131 : memref<!tpu.dma_semaphore, #tpu.memory_space<semaphore_mem>>)
          %dma_wait3A = arith.constant 512 : i32
          %dma_wait3A_142 = arith.constant 0 : i32
          %dma_wait3A_143 = tpu.memref_slice %arg7[%dma_wait3A, %dma_wait3A_142] : memref<1024x32xf32, #tpu.memory_space<vmem>> -> memref<128x32xf32, #tpu.memory_space<vmem>>
          %dma_wait3A_144 = arith.constant 0 : i32
          %dma_wait3A_145 = tpu.memref_slice %arg9[%add3A, %dma_wait3A_144] : memref<10240x32xf32, #tpu.memory_space<vmem_shared>> -> memref<128x32xf32, #tpu.memory_space<vmem_shared>>
          %dma_wait3A_146 = arith.constant 0 : i32
          %dma_wait3A_147 = tpu.memref_slice %arg9[%add3A, %dma_wait3A_146] : memref<10240x32xf32, #tpu.memory_space<vmem_shared>> -> memref<128x32xf32, #tpu.memory_space<vmem_shared>>
          %dma_wait3A_148 = arith.constant 512 : i32
          %dma_wait3A_149 = arith.constant 0 : i32
          %dma_wait3A_150 = tpu.memref_slice %arg7[%dma_wait3A_148, %dma_wait3A_149] : memref<1024x32xf32, #tpu.memory_space<vmem>> -> memref<128x32xf32, #tpu.memory_space<vmem>>
          tpu.wait_dma2 semaphore(%run_scoped3A_131 : memref<!tpu.dma_semaphore, #tpu.memory_space<semaphore_mem>>) src(%dma_wait3A_150 : memref<128x32xf32, #tpu.memory_space<vmem>>) dst(%dma_wait3A_147 : memref<128x32xf32, #tpu.memory_space<vmem_shared>>)
          tpu.yield
        }) : () -> ()
        %scan3A_130 = arith.constant 0 : i32
        scf.yield %scan3A_130 : i32
      }
      %scan3A_112 = arith.constant 5 : i32
      %barrier3A_113 = arith.constant 0 : index
      tpu.barrier barrier_id(%barrier3A_113)
      %scan3A_114 = arith.constant 0 : i32
      scf.yield %scan3A_114 : i32
    }
    %scan3A_50 = arith.constant 10 : i32
    return
  }
}

module attributes {stable_mosaic.version = 14 : i64} {
  func.func @_mlp_body(%arg0: i32, %arg1: memref<1000x128xf32, #tpu.memory_space<vmem>>, %arg2: memref<64x128xf32, #tpu.memory_space<vmem>>, %arg3: memref<1x64xf32, #tpu.memory_space<vmem>>, %arg4: memref<64x64xf32, #tpu.memory_space<vmem>>, %arg5: memref<1x64xf32, #tpu.memory_space<vmem>>, %arg6: memref<1000x64xf32, #tpu.memory_space<vmem>>) attributes {dimension_semantics = [#tpu.dimension_semantics<arbitrary>], iteration_bounds = array<i64: 10>, scalar_prefetch = 0 : i64, scratch_operands = 0 : i64, tpu.core_type = #tpu.core_type<tc>, window_params = [{transform_indices = @transform_0, window_bounds = array<i64: 1000, 128>}, {pipeline_mode = #tpu.pipeline_mode<synchronous>, transform_indices = @transform_1, window_bounds = array<i64: 64, 128>}, {pipeline_mode = #tpu.pipeline_mode<synchronous>, transform_indices = @transform_2, window_bounds = array<i64: 1, 64>}, {pipeline_mode = #tpu.pipeline_mode<synchronous>, transform_indices = @transform_3, window_bounds = array<i64: 64, 64>}, {pipeline_mode = #tpu.pipeline_mode<synchronous>, transform_indices = @transform_4, window_bounds = array<i64: 1, 64>}, {transform_indices = @transform_5, window_bounds = array<i64: 1000, 64>}]} {
    %get3A = arith.constant 0 : index
    %get3A_0 = arith.constant 0 : index
    %get3A_1 = vector.load %arg1[%get3A, %get3A_0] : memref<1000x128xf32, #tpu.memory_space<vmem>>, vector<1000x128xf32>
    %get3A_2 = arith.constant 0 : index
    %get3A_3 = arith.constant 0 : index
    %get3A_4 = vector.load %arg2[%get3A_2, %get3A_3] : memref<64x128xf32, #tpu.memory_space<vmem>>, vector<64x128xf32>
    %dot_general3A = arith.constant dense<0.000000e+00> : vector<1000x64xf32>
    %dot_general3A_5 = tpu.matmul %get3A_1, %get3A_4, %dot_general3A {dimension_numbers = #tpu.dot_dimension_numbers<[1], [1], [0], [0], [0, 0, 1, 0], [], []>, transpose_lhs_hint = false} : vector<1000x128xf32>, vector<64x128xf32>, vector<1000x64xf32> -> vector<1000x64xf32>
    %get3A_6 = arith.constant 0 : index
    %get3A_7 = arith.constant 0 : index
    %get3A_8 = vector.load %arg3[%get3A_6, %get3A_7] : memref<1x64xf32, #tpu.memory_space<vmem>>, vector<1x64xf32>
    %add3A = vector.broadcast %get3A_8 : vector<1x64xf32> to vector<1000x64xf32>
    %add3A_9 = arith.addf %dot_general3A_5, %add3A : vector<1000x64xf32>
    %max3A = arith.constant 0.000000e+00 : f32
    %max3A_10 = vector.broadcast %max3A : f32 to vector<1000x64xf32>
    %max3A_11 = arith.maximumf %add3A_9, %max3A_10 : vector<1000x64xf32>
    %get3A_12 = arith.constant 0 : index
    %get3A_13 = arith.constant 0 : index
    %get3A_14 = vector.load %arg4[%get3A_12, %get3A_13] : memref<64x64xf32, #tpu.memory_space<vmem>>, vector<64x64xf32>
    %dot_general3A_15 = arith.constant dense<0.000000e+00> : vector<1000x64xf32>
    %dot_general3A_16 = tpu.matmul %max3A_11, %get3A_14, %dot_general3A_15 {dimension_numbers = #tpu.dot_dimension_numbers<[1], [1], [0], [0], [0, 0, 1, 0], [], []>, transpose_lhs_hint = false} : vector<1000x64xf32>, vector<64x64xf32>, vector<1000x64xf32> -> vector<1000x64xf32>
    %get3A_17 = arith.constant 0 : index
    %get3A_18 = arith.constant 0 : index
    %get3A_19 = vector.load %arg5[%get3A_17, %get3A_18] : memref<1x64xf32, #tpu.memory_space<vmem>>, vector<1x64xf32>
    %add3A_20 = vector.broadcast %get3A_19 : vector<1x64xf32> to vector<1000x64xf32>
    %add3A_21 = arith.addf %dot_general3A_16, %add3A_20 : vector<1000x64xf32>
    %swap3A = arith.constant 0 : index
    %swap3A_22 = arith.constant 0 : index
    %swap3A_23 = vector.load %arg6[%swap3A, %swap3A_22] : memref<1000x64xf32, #tpu.memory_space<vmem>>, vector<1000x64xf32>
    tpu.vector_store %arg6[%swap3A, %swap3A_22], %add3A_21 {strides = array<i32>} : memref<1000x64xf32, #tpu.memory_space<vmem>>, vector<1000x64xf32>,
    return
  }
  func.func @transform_0(%arg0: i32) -> (i32, i32) {
    %c0_i32 = arith.constant 0 : i32
    %c0_i32_0 = arith.constant 0 : i32
    return %arg0, %c0_i32 : i32, i32
  }
  func.func @transform_1(%arg0: i32) -> (i32, i32) {
    %c0_i32 = arith.constant 0 : i32
    %c0_i32_0 = arith.constant 0 : i32
    %c0_i32_1 = arith.constant 0 : i32
    return %c0_i32, %c0_i32_0 : i32, i32
  }
  func.func @transform_2(%arg0: i32) -> (i32, i32) {
    %c0_i32 = arith.constant 0 : i32
    %c0_i32_0 = arith.constant 0 : i32
    %c0_i32_1 = arith.constant 0 : i32
    return %c0_i32, %c0_i32_0 : i32, i32
  }
  func.func @transform_3(%arg0: i32) -> (i32, i32) {
    %c0_i32 = arith.constant 0 : i32
    %c0_i32_0 = arith.constant 0 : i32
    %c0_i32_1 = arith.constant 0 : i32
    return %c0_i32, %c0_i32_0 : i32, i32
  }
  func.func @transform_4(%arg0: i32) -> (i32, i32) {
    %c0_i32 = arith.constant 0 : i32
    %c0_i32_0 = arith.constant 0 : i32
    %c0_i32_1 = arith.constant 0 : i32
    return %c0_i32, %c0_i32_0 : i32, i32
  }
  func.func @transform_5(%arg0: i32) -> (i32, i32) {
    %c0_i32 = arith.constant 0 : i32
    %c0_i32_0 = arith.constant 0 : i32
    return %arg0, %c0_i32 : i32, i32
  }
}

module attributes {stable_mosaic.version = 14 : i64} {
  func.func @_halt_body(%arg0: i32, %arg1: memref<10x1280x64xf32, #tpu.memory_space<vmem>>, %arg2: memref<1x64xf32, #tpu.memory_space<vmem>>, %arg3: memref<1x1xf32, #tpu.memory_space<vmem>>, %arg4: memref<10x1280xf32, #tpu.memory_space<vmem>>, %arg5: memref<10x1280xf32, #tpu.memory_space<vmem>>) attributes {dimension_semantics = [#tpu.dimension_semantics<arbitrary>], iteration_bounds = array<i64: 8>, scalar_prefetch = 0 : i64, scratch_operands = 0 : i64, tpu.core_type = #tpu.core_type<tc>, window_params = [{transform_indices = @transform_0, window_bounds = array<i64: 10, 1280, 64>}, {pipeline_mode = #tpu.pipeline_mode<synchronous>, transform_indices = @transform_1, window_bounds = array<i64: 1, 64>}, {pipeline_mode = #tpu.pipeline_mode<synchronous>, transform_indices = @transform_2, window_bounds = array<i64: 1, 1>}, {transform_indices = @transform_3, window_bounds = array<i64: 10, 1280>}, {transform_indices = @transform_4, window_bounds = array<i64: 10, 1280>}]} {
    %get3A = arith.constant 0 : index
    %get3A_0 = arith.constant 0 : index
    %get3A_1 = vector.load %arg2[%get3A, %get3A_0] : memref<1x64xf32, #tpu.memory_space<vmem>>, vector<1x64xf32>
    %convert_element_type3A = arith.truncf %get3A_1 : vector<1x64xf32> to vector<1x64xbf16>
    %convert_element_type3A_2 = arith.extf %convert_element_type3A : vector<1x64xbf16> to vector<1x64xf32>
    %get3A_3 = arith.constant 0 : index
    %get3A_4 = arith.constant 0 : index
    %get3A_5 = arith.constant 0 : index
    %get3A_6 = vector.load %arg1[%get3A_3, %get3A_4, %get3A_5] : memref<10x1280x64xf32, #tpu.memory_space<vmem>>, vector<1x1280x64xf32>
    %get3A_7 = vector.shape_cast %get3A_6 : vector<1x1280x64xf32> to vector<1280x64xf32>
    %convert_element_type3A_8 = arith.truncf %get3A_7 : vector<1280x64xf32> to vector<1280x64xbf16>
    %convert_element_type3A_9 = arith.extf %convert_element_type3A_8 : vector<1280x64xbf16> to vector<1280x64xf32>
    %mul3A = vector.broadcast %convert_element_type3A_2 : vector<1x64xf32> to vector<1280x64xf32>
    %mul3A_10 = arith.mulf %convert_element_type3A_9, %mul3A : vector<1280x64xf32>
    %reduce_sum3A = arith.constant dense<0.000000e+00> : vector<1280xf32>
    %reduce_sum3A_11 = vector.multi_reduction <add>, %mul3A_10, %reduce_sum3A [1] : vector<1280x64xf32> to vector<1280xf32>
    %broadcast_in_dim3A = vector.shape_cast %reduce_sum3A_11 : vector<1280xf32> to vector<1x1280xf32>
    %get3A_12 = arith.constant 0 : index
    %get3A_13 = arith.constant 0 : index
    %get3A_14 = vector.load %arg3[%get3A_12, %get3A_13] : memref<1x1xf32, #tpu.memory_space<vmem>>, vector<1x1xf32>
    %add3A = vector.broadcast %get3A_14 : vector<1x1xf32> to vector<1x1280xf32>
    %add3A_15 = arith.addf %broadcast_in_dim3A, %add3A : vector<1x1280xf32>
    %jit3A = arith.constant -1.000000e+01 : f32
    %jit3A_16 = arith.constant 1.000000e+01 : f32
    %max3A = vector.broadcast %jit3A : f32 to vector<1x1280xf32>
    %max3A_17 = arith.maximumf %max3A, %add3A_15 : vector<1x1280xf32>
    %min3A = vector.broadcast %jit3A_16 : f32 to vector<1x1280xf32>
    %min3A_18 = arith.minimumf %min3A, %max3A_17 : vector<1x1280xf32>
    %get3A_19 = arith.constant 1 : index
    %get3A_20 = arith.constant 0 : index
    %get3A_21 = arith.constant 0 : index
    %get3A_22 = vector.load %arg1[%get3A_19, %get3A_20, %get3A_21] : memref<10x1280x64xf32, #tpu.memory_space<vmem>>, vector<1x1280x64xf32>
    %get3A_23 = vector.shape_cast %get3A_22 : vector<1x1280x64xf32> to vector<1280x64xf32>
    %convert_element_type3A_24 = arith.truncf %get3A_23 : vector<1280x64xf32> to vector<1280x64xbf16>
    %convert_element_type3A_25 = arith.extf %convert_element_type3A_24 : vector<1280x64xbf16> to vector<1280x64xf32>
    %mul3A_26 = vector.broadcast %convert_element_type3A_2 : vector<1x64xf32> to vector<1280x64xf32>
    %mul3A_27 = arith.mulf %convert_element_type3A_25, %mul3A_26 : vector<1280x64xf32>
    %reduce_sum3A_28 = arith.constant dense<0.000000e+00> : vector<1280xf32>
    %reduce_sum3A_29 = vector.multi_reduction <add>, %mul3A_27, %reduce_sum3A_28 [1] : vector<1280x64xf32> to vector<1280xf32>
    %broadcast_in_dim3A_30 = vector.shape_cast %reduce_sum3A_29 : vector<1280xf32> to vector<1x1280xf32>
    %get3A_31 = arith.constant 0 : index
    %get3A_32 = arith.constant 0 : index
    %get3A_33 = vector.load %arg3[%get3A_31, %get3A_32] : memref<1x1xf32, #tpu.memory_space<vmem>>, vector<1x1xf32>
    %add3A_34 = vector.broadcast %get3A_33 : vector<1x1xf32> to vector<1x1280xf32>
    %add3A_35 = arith.addf %broadcast_in_dim3A_30, %add3A_34 : vector<1x1280xf32>
    %jit3A_36 = arith.constant -1.000000e+01 : f32
    %jit3A_37 = arith.constant 1.000000e+01 : f32
    %max3A_38 = vector.broadcast %jit3A_36 : f32 to vector<1x1280xf32>
    %max3A_39 = arith.maximumf %max3A_38, %add3A_35 : vector<1x1280xf32>
    %min3A_40 = vector.broadcast %jit3A_37 : f32 to vector<1x1280xf32>
    %min3A_41 = arith.minimumf %min3A_40, %max3A_39 : vector<1x1280xf32>
    %get3A_42 = arith.constant 2 : index
    %get3A_43 = arith.constant 0 : index
    %get3A_44 = arith.constant 0 : index
    %get3A_45 = vector.load %arg1[%get3A_42, %get3A_43, %get3A_44] : memref<10x1280x64xf32, #tpu.memory_space<vmem>>, vector<1x1280x64xf32>
    %get3A_46 = vector.shape_cast %get3A_45 : vector<1x1280x64xf32> to vector<1280x64xf32>
    %convert_element_type3A_47 = arith.truncf %get3A_46 : vector<1280x64xf32> to vector<1280x64xbf16>
    %convert_element_type3A_48 = arith.extf %convert_element_type3A_47 : vector<1280x64xbf16> to vector<1280x64xf32>
    %mul3A_49 = vector.broadcast %convert_element_type3A_2 : vector<1x64xf32> to vector<1280x64xf32>
    %mul3A_50 = arith.mulf %convert_element_type3A_48, %mul3A_49 : vector<1280x64xf32>
    %reduce_sum3A_51 = arith.constant dense<0.000000e+00> : vector<1280xf32>
    %reduce_sum3A_52 = vector.multi_reduction <add>, %mul3A_50, %reduce_sum3A_51 [1] : vector<1280x64xf32> to vector<1280xf32>
    %broadcast_in_dim3A_53 = vector.shape_cast %reduce_sum3A_52 : vector<1280xf32> to vector<1x1280xf32>
    %get3A_54 = arith.constant 0 : index
    %get3A_55 = arith.constant 0 : index
    %get3A_56 = vector.load %arg3[%get3A_54, %get3A_55] : memref<1x1xf32, #tpu.memory_space<vmem>>, vector<1x1xf32>
    %add3A_57 = vector.broadcast %get3A_56 : vector<1x1xf32> to vector<1x1280xf32>
    %add3A_58 = arith.addf %broadcast_in_dim3A_53, %add3A_57 : vector<1x1280xf32>
    %jit3A_59 = arith.constant -1.000000e+01 : f32
    %jit3A_60 = arith.constant 1.000000e+01 : f32
    %max3A_61 = vector.broadcast %jit3A_59 : f32 to vector<1x1280xf32>
    %max3A_62 = arith.maximumf %max3A_61, %add3A_58 : vector<1x1280xf32>
    %min3A_63 = vector.broadcast %jit3A_60 : f32 to vector<1x1280xf32>
    %min3A_64 = arith.minimumf %min3A_63, %max3A_62 : vector<1x1280xf32>
    %get3A_65 = arith.constant 3 : index
    %get3A_66 = arith.constant 0 : index
    %get3A_67 = arith.constant 0 : index
    %get3A_68 = vector.load %arg1[%get3A_65, %get3A_66, %get3A_67] : memref<10x1280x64xf32, #tpu.memory_space<vmem>>, vector<1x1280x64xf32>
    %get3A_69 = vector.shape_cast %get3A_68 : vector<1x1280x64xf32> to vector<1280x64xf32>
    %convert_element_type3A_70 = arith.truncf %get3A_69 : vector<1280x64xf32> to vector<1280x64xbf16>
    %convert_element_type3A_71 = arith.extf %convert_element_type3A_70 : vector<1280x64xbf16> to vector<1280x64xf32>
    %mul3A_72 = vector.broadcast %convert_element_type3A_2 : vector<1x64xf32> to vector<1280x64xf32>
    %mul3A_73 = arith.mulf %convert_element_type3A_71, %mul3A_72 : vector<1280x64xf32>
    %reduce_sum3A_74 = arith.constant dense<0.000000e+00> : vector<1280xf32>
    %reduce_sum3A_75 = vector.multi_reduction <add>, %mul3A_73, %reduce_sum3A_74 [1] : vector<1280x64xf32> to vector<1280xf32>
    %broadcast_in_dim3A_76 = vector.shape_cast %reduce_sum3A_75 : vector<1280xf32> to vector<1x1280xf32>
    %get3A_77 = arith.constant 0 : index
    %get3A_78 = arith.constant 0 : index
    %get3A_79 = vector.load %arg3[%get3A_77, %get3A_78] : memref<1x1xf32, #tpu.memory_space<vmem>>, vector<1x1xf32>
    %add3A_80 = vector.broadcast %get3A_79 : vector<1x1xf32> to vector<1x1280xf32>
    %add3A_81 = arith.addf %broadcast_in_dim3A_76, %add3A_80 : vector<1x1280xf32>
    %jit3A_82 = arith.constant -1.000000e+01 : f32
    %jit3A_83 = arith.constant 1.000000e+01 : f32
    %max3A_84 = vector.broadcast %jit3A_82 : f32 to vector<1x1280xf32>
    %max3A_85 = arith.maximumf %max3A_84, %add3A_81 : vector<1x1280xf32>
    %min3A_86 = vector.broadcast %jit3A_83 : f32 to vector<1x1280xf32>
    %min3A_87 = arith.minimumf %min3A_86, %max3A_85 : vector<1x1280xf32>
    %get3A_88 = arith.constant 4 : index
    %get3A_89 = arith.constant 0 : index
    %get3A_90 = arith.constant 0 : index
    %get3A_91 = vector.load %arg1[%get3A_88, %get3A_89, %get3A_90] : memref<10x1280x64xf32, #tpu.memory_space<vmem>>, vector<1x1280x64xf32>
    %get3A_92 = vector.shape_cast %get3A_91 : vector<1x1280x64xf32> to vector<1280x64xf32>
    %convert_element_type3A_93 = arith.truncf %get3A_92 : vector<1280x64xf32> to vector<1280x64xbf16>
    %convert_element_type3A_94 = arith.extf %convert_element_type3A_93 : vector<1280x64xbf16> to vector<1280x64xf32>
    %mul3A_95 = vector.broadcast %convert_element_type3A_2 : vector<1x64xf32> to vector<1280x64xf32>
    %mul3A_96 = arith.mulf %convert_element_type3A_94, %mul3A_95 : vector<1280x64xf32>
    %reduce_sum3A_97 = arith.constant dense<0.000000e+00> : vector<1280xf32>
    %reduce_sum3A_98 = vector.multi_reduction <add>, %mul3A_96, %reduce_sum3A_97 [1] : vector<1280x64xf32> to vector<1280xf32>
    %broadcast_in_dim3A_99 = vector.shape_cast %reduce_sum3A_98 : vector<1280xf32> to vector<1x1280xf32>
    %get3A_100 = arith.constant 0 : index
    %get3A_101 = arith.constant 0 : index
    %get3A_102 = vector.load %arg3[%get3A_100, %get3A_101] : memref<1x1xf32, #tpu.memory_space<vmem>>, vector<1x1xf32>
    %add3A_103 = vector.broadcast %get3A_102 : vector<1x1xf32> to vector<1x1280xf32>
    %add3A_104 = arith.addf %broadcast_in_dim3A_99, %add3A_103 : vector<1x1280xf32>
    %jit3A_105 = arith.constant -1.000000e+01 : f32
    %jit3A_106 = arith.constant 1.000000e+01 : f32
    %max3A_107 = vector.broadcast %jit3A_105 : f32 to vector<1x1280xf32>
    %max3A_108 = arith.maximumf %max3A_107, %add3A_104 : vector<1x1280xf32>
    %min3A_109 = vector.broadcast %jit3A_106 : f32 to vector<1x1280xf32>
    %min3A_110 = arith.minimumf %min3A_109, %max3A_108 : vector<1x1280xf32>
    %get3A_111 = arith.constant 5 : index
    %get3A_112 = arith.constant 0 : index
    %get3A_113 = arith.constant 0 : index
    %get3A_114 = vector.load %arg1[%get3A_111, %get3A_112, %get3A_113] : memref<10x1280x64xf32, #tpu.memory_space<vmem>>, vector<1x1280x64xf32>
    %get3A_115 = vector.shape_cast %get3A_114 : vector<1x1280x64xf32> to vector<1280x64xf32>
    %convert_element_type3A_116 = arith.truncf %get3A_115 : vector<1280x64xf32> to vector<1280x64xbf16>
    %convert_element_type3A_117 = arith.extf %convert_element_type3A_116 : vector<1280x64xbf16> to vector<1280x64xf32>
    %mul3A_118 = vector.broadcast %convert_element_type3A_2 : vector<1x64xf32> to vector<1280x64xf32>
    %mul3A_119 = arith.mulf %convert_element_type3A_117, %mul3A_118 : vector<1280x64xf32>
    %reduce_sum3A_120 = arith.constant dense<0.000000e+00> : vector<1280xf32>
    %reduce_sum3A_121 = vector.multi_reduction <add>, %mul3A_119, %reduce_sum3A_120 [1] : vector<1280x64xf32> to vector<1280xf32>
    %broadcast_in_dim3A_122 = vector.shape_cast %reduce_sum3A_121 : vector<1280xf32> to vector<1x1280xf32>
    %get3A_123 = arith.constant 0 : index
    %get3A_124 = arith.constant 0 : index
    %get3A_125 = vector.load %arg3[%get3A_123, %get3A_124] : memref<1x1xf32, #tpu.memory_space<vmem>>, vector<1x1xf32>
    %add3A_126 = vector.broadcast %get3A_125 : vector<1x1xf32> to vector<1x1280xf32>
    %add3A_127 = arith.addf %broadcast_in_dim3A_122, %add3A_126 : vector<1x1280xf32>
    %jit3A_128 = arith.constant -1.000000e+01 : f32
    %jit3A_129 = arith.constant 1.000000e+01 : f32
    %max3A_130 = vector.broadcast %jit3A_128 : f32 to vector<1x1280xf32>
    %max3A_131 = arith.maximumf %max3A_130, %add3A_127 : vector<1x1280xf32>
    %min3A_132 = vector.broadcast %jit3A_129 : f32 to vector<1x1280xf32>
    %min3A_133 = arith.minimumf %min3A_132, %max3A_131 : vector<1x1280xf32>
    %get3A_134 = arith.constant 6 : index
    %get3A_135 = arith.constant 0 : index
    %get3A_136 = arith.constant 0 : index
    %get3A_137 = vector.load %arg1[%get3A_134, %get3A_135, %get3A_136] : memref<10x1280x64xf32, #tpu.memory_space<vmem>>, vector<1x1280x64xf32>
    %get3A_138 = vector.shape_cast %get3A_137 : vector<1x1280x64xf32> to vector<1280x64xf32>
    %convert_element_type3A_139 = arith.truncf %get3A_138 : vector<1280x64xf32> to vector<1280x64xbf16>
    %convert_element_type3A_140 = arith.extf %convert_element_type3A_139 : vector<1280x64xbf16> to vector<1280x64xf32>
    %mul3A_141 = vector.broadcast %convert_element_type3A_2 : vector<1x64xf32> to vector<1280x64xf32>
    %mul3A_142 = arith.mulf %convert_element_type3A_140, %mul3A_141 : vector<1280x64xf32>
    %reduce_sum3A_143 = arith.constant dense<0.000000e+00> : vector<1280xf32>
    %reduce_sum3A_144 = vector.multi_reduction <add>, %mul3A_142, %reduce_sum3A_143 [1] : vector<1280x64xf32> to vector<1280xf32>
    %broadcast_in_dim3A_145 = vector.shape_cast %reduce_sum3A_144 : vector<1280xf32> to vector<1x1280xf32>
    %get3A_146 = arith.constant 0 : index
    %get3A_147 = arith.constant 0 : index
    %get3A_148 = vector.load %arg3[%get3A_146, %get3A_147] : memref<1x1xf32, #tpu.memory_space<vmem>>, vector<1x1xf32>
    %add3A_149 = vector.broadcast %get3A_148 : vector<1x1xf32> to vector<1x1280xf32>
    %add3A_150 = arith.addf %broadcast_in_dim3A_145, %add3A_149 : vector<1x1280xf32>
    %jit3A_151 = arith.constant -1.000000e+01 : f32
    %jit3A_152 = arith.constant 1.000000e+01 : f32
    %max3A_153 = vector.broadcast %jit3A_151 : f32 to vector<1x1280xf32>
    %max3A_154 = arith.maximumf %max3A_153, %add3A_150 : vector<1x1280xf32>
    %min3A_155 = vector.broadcast %jit3A_152 : f32 to vector<1x1280xf32>
    %min3A_156 = arith.minimumf %min3A_155, %max3A_154 : vector<1x1280xf32>
    %get3A_157 = arith.constant 7 : index
    %get3A_158 = arith.constant 0 : index
    %get3A_159 = arith.constant 0 : index
    %get3A_160 = vector.load %arg1[%get3A_157, %get3A_158, %get3A_159] : memref<10x1280x64xf32, #tpu.memory_space<vmem>>, vector<1x1280x64xf32>
    %get3A_161 = vector.shape_cast %get3A_160 : vector<1x1280x64xf32> to vector<1280x64xf32>
    %convert_element_type3A_162 = arith.truncf %get3A_161 : vector<1280x64xf32> to vector<1280x64xbf16>
    %convert_element_type3A_163 = arith.extf %convert_element_type3A_162 : vector<1280x64xbf16> to vector<1280x64xf32>
    %mul3A_164 = vector.broadcast %convert_element_type3A_2 : vector<1x64xf32> to vector<1280x64xf32>
    %mul3A_165 = arith.mulf %convert_element_type3A_163, %mul3A_164 : vector<1280x64xf32>
    %reduce_sum3A_166 = arith.constant dense<0.000000e+00> : vector<1280xf32>
    %reduce_sum3A_167 = vector.multi_reduction <add>, %mul3A_165, %reduce_sum3A_166 [1] : vector<1280x64xf32> to vector<1280xf32>
    %broadcast_in_dim3A_168 = vector.shape_cast %reduce_sum3A_167 : vector<1280xf32> to vector<1x1280xf32>
    %get3A_169 = arith.constant 0 : index
    %get3A_170 = arith.constant 0 : index
    %get3A_171 = vector.load %arg3[%get3A_169, %get3A_170] : memref<1x1xf32, #tpu.memory_space<vmem>>, vector<1x1xf32>
    %add3A_172 = vector.broadcast %get3A_171 : vector<1x1xf32> to vector<1x1280xf32>
    %add3A_173 = arith.addf %broadcast_in_dim3A_168, %add3A_172 : vector<1x1280xf32>
    %jit3A_174 = arith.constant -1.000000e+01 : f32
    %jit3A_175 = arith.constant 1.000000e+01 : f32
    %max3A_176 = vector.broadcast %jit3A_174 : f32 to vector<1x1280xf32>
    %max3A_177 = arith.maximumf %max3A_176, %add3A_173 : vector<1x1280xf32>
    %min3A_178 = vector.broadcast %jit3A_175 : f32 to vector<1x1280xf32>
    %min3A_179 = arith.minimumf %min3A_178, %max3A_177 : vector<1x1280xf32>
    %get3A_180 = arith.constant 8 : index
    %get3A_181 = arith.constant 0 : index
    %get3A_182 = arith.constant 0 : index
    %get3A_183 = vector.load %arg1[%get3A_180, %get3A_181, %get3A_182] : memref<10x1280x64xf32, #tpu.memory_space<vmem>>, vector<1x1280x64xf32>
    %get3A_184 = vector.shape_cast %get3A_183 : vector<1x1280x64xf32> to vector<1280x64xf32>
    %convert_element_type3A_185 = arith.truncf %get3A_184 : vector<1280x64xf32> to vector<1280x64xbf16>
    %convert_element_type3A_186 = arith.extf %convert_element_type3A_185 : vector<1280x64xbf16> to vector<1280x64xf32>
    %mul3A_187 = vector.broadcast %convert_element_type3A_2 : vector<1x64xf32> to vector<1280x64xf32>
    %mul3A_188 = arith.mulf %convert_element_type3A_186, %mul3A_187 : vector<1280x64xf32>
    %reduce_sum3A_189 = arith.constant dense<0.000000e+00> : vector<1280xf32>
    %reduce_sum3A_190 = vector.multi_reduction <add>, %mul3A_188, %reduce_sum3A_189 [1] : vector<1280x64xf32> to vector<1280xf32>
    %broadcast_in_dim3A_191 = vector.shape_cast %reduce_sum3A_190 : vector<1280xf32> to vector<1x1280xf32>
    %get3A_192 = arith.constant 0 : index
    %get3A_193 = arith.constant 0 : index
    %get3A_194 = vector.load %arg3[%get3A_192, %get3A_193] : memref<1x1xf32, #tpu.memory_space<vmem>>, vector<1x1xf32>
    %add3A_195 = vector.broadcast %get3A_194 : vector<1x1xf32> to vector<1x1280xf32>
    %add3A_196 = arith.addf %broadcast_in_dim3A_191, %add3A_195 : vector<1x1280xf32>
    %jit3A_197 = arith.constant -1.000000e+01 : f32
    %jit3A_198 = arith.constant 1.000000e+01 : f32
    %max3A_199 = vector.broadcast %jit3A_197 : f32 to vector<1x1280xf32>
    %max3A_200 = arith.maximumf %max3A_199, %add3A_196 : vector<1x1280xf32>
    %min3A_201 = vector.broadcast %jit3A_198 : f32 to vector<1x1280xf32>
    %min3A_202 = arith.minimumf %min3A_201, %max3A_200 : vector<1x1280xf32>
    %get3A_203 = arith.constant 9 : index
    %get3A_204 = arith.constant 0 : index
    %get3A_205 = arith.constant 0 : index
    %get3A_206 = vector.load %arg1[%get3A_203, %get3A_204, %get3A_205] : memref<10x1280x64xf32, #tpu.memory_space<vmem>>, vector<1x1280x64xf32>
    %get3A_207 = vector.shape_cast %get3A_206 : vector<1x1280x64xf32> to vector<1280x64xf32>
    %convert_element_type3A_208 = arith.truncf %get3A_207 : vector<1280x64xf32> to vector<1280x64xbf16>
    %convert_element_type3A_209 = arith.extf %convert_element_type3A_208 : vector<1280x64xbf16> to vector<1280x64xf32>
    %mul3A_210 = vector.broadcast %convert_element_type3A_2 : vector<1x64xf32> to vector<1280x64xf32>
    %mul3A_211 = arith.mulf %convert_element_type3A_209, %mul3A_210 : vector<1280x64xf32>
    %reduce_sum3A_212 = arith.constant dense<0.000000e+00> : vector<1280xf32>
    %reduce_sum3A_213 = vector.multi_reduction <add>, %mul3A_211, %reduce_sum3A_212 [1] : vector<1280x64xf32> to vector<1280xf32>
    %broadcast_in_dim3A_214 = vector.shape_cast %reduce_sum3A_213 : vector<1280xf32> to vector<1x1280xf32>
    %get3A_215 = arith.constant 0 : index
    %get3A_216 = arith.constant 0 : index
    %get3A_217 = vector.load %arg3[%get3A_215, %get3A_216] : memref<1x1xf32, #tpu.memory_space<vmem>>, vector<1x1xf32>
    %add3A_218 = vector.broadcast %get3A_217 : vector<1x1xf32> to vector<1x1280xf32>
    %add3A_219 = arith.addf %broadcast_in_dim3A_214, %add3A_218 : vector<1x1280xf32>
    %jit3A_220 = arith.constant -1.000000e+01 : f32
    %jit3A_221 = arith.constant 1.000000e+01 : f32
    %max3A_222 = vector.broadcast %jit3A_220 : f32 to vector<1x1280xf32>
    %max3A_223 = arith.maximumf %max3A_222, %add3A_219 : vector<1x1280xf32>
    %min3A_224 = vector.broadcast %jit3A_221 : f32 to vector<1x1280xf32>
    %min3A_225 = arith.minimumf %min3A_224, %max3A_223 : vector<1x1280xf32>
    %concatenate3A = tpu.concatenate %min3A_18, %min3A_41, %min3A_64, %min3A_87, %min3A_110, %min3A_133, %min3A_156, %min3A_179, %min3A_202, %min3A_225 in 0 : vector<1x1280xf32>, vector<1x1280xf32>, vector<1x1280xf32>, vector<1x1280xf32>, vector<1x1280xf32>, vector<1x1280xf32>, vector<1x1280xf32>, vector<1x1280xf32>, vector<1x1280xf32>, vector<1x1280xf32> -> vector<10x1280xf32>
    %neg3A = arith.constant 0.000000e+00 : f32
    %neg3A_226 = vector.broadcast %neg3A : f32 to vector<10x1280xf32>
    %neg3A_227 = arith.subf %neg3A_226, %concatenate3A : vector<10x1280xf32>
    %exp3A = math.exp %neg3A_227 : vector<10x1280xf32>
    %add3A_228 = arith.constant 1.000000e+00 : f32
    %add3A_229 = vector.broadcast %add3A_228 : f32 to vector<10x1280xf32>
    %add3A_230 = arith.addf %add3A_229, %exp3A : vector<10x1280xf32>
    %div3A = arith.constant 1.000000e+00 : f32
    %div3A_231 = vector.broadcast %div3A : f32 to vector<10x1280xf32>
    %div3A_232 = arith.divf %div3A_231, %add3A_230 : vector<10x1280xf32>
    %broadcast_in_dim3A_233 = arith.constant 1.000000e+00 : f32
    %broadcast_in_dim3A_234 = vector.broadcast %broadcast_in_dim3A_233 : f32 to vector<1x1280xf32>
    %slice3A = vector.extract_strided_slice %div3A_232 {offsets = [0, 0], sizes = [1, 1280], strides = [1, 1]} : vector<10x1280xf32> to vector<1x1280xf32>
    %mul3A_235 = arith.mulf %slice3A, %broadcast_in_dim3A_234 : vector<1x1280xf32>
    %slice3A_236 = vector.extract_strided_slice %div3A_232 {offsets = [0, 0], sizes = [1, 1280], strides = [1, 1]} : vector<10x1280xf32> to vector<1x1280xf32>
    %sub3A = arith.constant 1.000000e+00 : f32
    %sub3A_237 = vector.broadcast %sub3A : f32 to vector<1x1280xf32>
    %sub3A_238 = arith.subf %sub3A_237, %slice3A_236 : vector<1x1280xf32>
    %mul3A_239 = arith.mulf %broadcast_in_dim3A_234, %sub3A_238 : vector<1x1280xf32>
    %slice3A_240 = vector.extract_strided_slice %div3A_232 {offsets = [1, 0], sizes = [1, 1280], strides = [1, 1]} : vector<10x1280xf32> to vector<1x1280xf32>
    %mul3A_241 = arith.mulf %slice3A_240, %mul3A_239 : vector<1x1280xf32>
    %slice3A_242 = vector.extract_strided_slice %div3A_232 {offsets = [1, 0], sizes = [1, 1280], strides = [1, 1]} : vector<10x1280xf32> to vector<1x1280xf32>
    %sub3A_243 = arith.constant 1.000000e+00 : f32
    %sub3A_244 = vector.broadcast %sub3A_243 : f32 to vector<1x1280xf32>
    %sub3A_245 = arith.subf %sub3A_244, %slice3A_242 : vector<1x1280xf32>
    %mul3A_246 = arith.mulf %mul3A_239, %sub3A_245 : vector<1x1280xf32>
    %slice3A_247 = vector.extract_strided_slice %div3A_232 {offsets = [2, 0], sizes = [1, 1280], strides = [1, 1]} : vector<10x1280xf32> to vector<1x1280xf32>
    %mul3A_248 = arith.mulf %slice3A_247, %mul3A_246 : vector<1x1280xf32>
    %slice3A_249 = vector.extract_strided_slice %div3A_232 {offsets = [2, 0], sizes = [1, 1280], strides = [1, 1]} : vector<10x1280xf32> to vector<1x1280xf32>
    %sub3A_250 = arith.constant 1.000000e+00 : f32
    %sub3A_251 = vector.broadcast %sub3A_250 : f32 to vector<1x1280xf32>
    %sub3A_252 = arith.subf %sub3A_251, %slice3A_249 : vector<1x1280xf32>
    %mul3A_253 = arith.mulf %mul3A_246, %sub3A_252 : vector<1x1280xf32>
    %slice3A_254 = vector.extract_strided_slice %div3A_232 {offsets = [3, 0], sizes = [1, 1280], strides = [1, 1]} : vector<10x1280xf32> to vector<1x1280xf32>
    %mul3A_255 = arith.mulf %slice3A_254, %mul3A_253 : vector<1x1280xf32>
    %slice3A_256 = vector.extract_strided_slice %div3A_232 {offsets = [3, 0], sizes = [1, 1280], strides = [1, 1]} : vector<10x1280xf32> to vector<1x1280xf32>
    %sub3A_257 = arith.constant 1.000000e+00 : f32
    %sub3A_258 = vector.broadcast %sub3A_257 : f32 to vector<1x1280xf32>
    %sub3A_259 = arith.subf %sub3A_258, %slice3A_256 : vector<1x1280xf32>
    %mul3A_260 = arith.mulf %mul3A_253, %sub3A_259 : vector<1x1280xf32>
    %slice3A_261 = vector.extract_strided_slice %div3A_232 {offsets = [4, 0], sizes = [1, 1280], strides = [1, 1]} : vector<10x1280xf32> to vector<1x1280xf32>
    %mul3A_262 = arith.mulf %slice3A_261, %mul3A_260 : vector<1x1280xf32>
    %slice3A_263 = vector.extract_strided_slice %div3A_232 {offsets = [4, 0], sizes = [1, 1280], strides = [1, 1]} : vector<10x1280xf32> to vector<1x1280xf32>
    %sub3A_264 = arith.constant 1.000000e+00 : f32
    %sub3A_265 = vector.broadcast %sub3A_264 : f32 to vector<1x1280xf32>
    %sub3A_266 = arith.subf %sub3A_265, %slice3A_263 : vector<1x1280xf32>
    %mul3A_267 = arith.mulf %mul3A_260, %sub3A_266 : vector<1x1280xf32>
    %slice3A_268 = vector.extract_strided_slice %div3A_232 {offsets = [5, 0], sizes = [1, 1280], strides = [1, 1]} : vector<10x1280xf32> to vector<1x1280xf32>
    %mul3A_269 = arith.mulf %slice3A_268, %mul3A_267 : vector<1x1280xf32>
    %slice3A_270 = vector.extract_strided_slice %div3A_232 {offsets = [5, 0], sizes = [1, 1280], strides = [1, 1]} : vector<10x1280xf32> to vector<1x1280xf32>
    %sub3A_271 = arith.constant 1.000000e+00 : f32
    %sub3A_272 = vector.broadcast %sub3A_271 : f32 to vector<1x1280xf32>
    %sub3A_273 = arith.subf %sub3A_272, %slice3A_270 : vector<1x1280xf32>
    %mul3A_274 = arith.mulf %mul3A_267, %sub3A_273 : vector<1x1280xf32>
    %slice3A_275 = vector.extract_strided_slice %div3A_232 {offsets = [6, 0], sizes = [1, 1280], strides = [1, 1]} : vector<10x1280xf32> to vector<1x1280xf32>
    %mul3A_276 = arith.mulf %slice3A_275, %mul3A_274 : vector<1x1280xf32>
    %slice3A_277 = vector.extract_strided_slice %div3A_232 {offsets = [6, 0], sizes = [1, 1280], strides = [1, 1]} : vector<10x1280xf32> to vector<1x1280xf32>
    %sub3A_278 = arith.constant 1.000000e+00 : f32
    %sub3A_279 = vector.broadcast %sub3A_278 : f32 to vector<1x1280xf32>
    %sub3A_280 = arith.subf %sub3A_279, %slice3A_277 : vector<1x1280xf32>
    %mul3A_281 = arith.mulf %mul3A_274, %sub3A_280 : vector<1x1280xf32>
    %slice3A_282 = vector.extract_strided_slice %div3A_232 {offsets = [7, 0], sizes = [1, 1280], strides = [1, 1]} : vector<10x1280xf32> to vector<1x1280xf32>
    %mul3A_283 = arith.mulf %slice3A_282, %mul3A_281 : vector<1x1280xf32>
    %slice3A_284 = vector.extract_strided_slice %div3A_232 {offsets = [7, 0], sizes = [1, 1280], strides = [1, 1]} : vector<10x1280xf32> to vector<1x1280xf32>
    %sub3A_285 = arith.constant 1.000000e+00 : f32
    %sub3A_286 = vector.broadcast %sub3A_285 : f32 to vector<1x1280xf32>
    %sub3A_287 = arith.subf %sub3A_286, %slice3A_284 : vector<1x1280xf32>
    %mul3A_288 = arith.mulf %mul3A_281, %sub3A_287 : vector<1x1280xf32>
    %slice3A_289 = vector.extract_strided_slice %div3A_232 {offsets = [8, 0], sizes = [1, 1280], strides = [1, 1]} : vector<10x1280xf32> to vector<1x1280xf32>
    %mul3A_290 = arith.mulf %slice3A_289, %mul3A_288 : vector<1x1280xf32>
    %slice3A_291 = vector.extract_strided_slice %div3A_232 {offsets = [8, 0], sizes = [1, 1280], strides = [1, 1]} : vector<10x1280xf32> to vector<1x1280xf32>
    %sub3A_292 = arith.constant 1.000000e+00 : f32
    %sub3A_293 = vector.broadcast %sub3A_292 : f32 to vector<1x1280xf32>
    %sub3A_294 = arith.subf %sub3A_293, %slice3A_291 : vector<1x1280xf32>
    %mul3A_295 = arith.mulf %mul3A_288, %sub3A_294 : vector<1x1280xf32>
    %slice3A_296 = vector.extract_strided_slice %div3A_232 {offsets = [9, 0], sizes = [1, 1280], strides = [1, 1]} : vector<10x1280xf32> to vector<1x1280xf32>
    %mul3A_297 = arith.mulf %slice3A_296, %mul3A_295 : vector<1x1280xf32>
    %slice3A_298 = vector.extract_strided_slice %div3A_232 {offsets = [9, 0], sizes = [1, 1280], strides = [1, 1]} : vector<10x1280xf32> to vector<1x1280xf32>
    %sub3A_299 = arith.constant 1.000000e+00 : f32
    %sub3A_300 = vector.broadcast %sub3A_299 : f32 to vector<1x1280xf32>
    %sub3A_301 = arith.subf %sub3A_300, %slice3A_298 : vector<1x1280xf32>
    %mul3A_302 = arith.mulf %mul3A_295, %sub3A_301 : vector<1x1280xf32>
    %add3A_303 = arith.addf %mul3A_297, %mul3A_302 : vector<1x1280xf32>
    %concatenate3A_304 = tpu.concatenate %mul3A_235, %mul3A_241, %mul3A_248, %mul3A_255, %mul3A_262, %mul3A_269, %mul3A_276, %mul3A_283, %mul3A_290, %add3A_303 in 0 : vector<1x1280xf32>, vector<1x1280xf32>, vector<1x1280xf32>, vector<1x1280xf32>, vector<1x1280xf32>, vector<1x1280xf32>, vector<1x1280xf32>, vector<1x1280xf32>, vector<1x1280xf32>, vector<1x1280xf32> -> vector<10x1280xf32>
    %swap3A = arith.constant 0 : index
    %swap3A_305 = arith.constant 0 : index
    %swap3A_306 = vector.load %arg4[%swap3A, %swap3A_305] : memref<10x1280xf32, #tpu.memory_space<vmem>>, vector<10x1280xf32>
    tpu.vector_store %arg4[%swap3A, %swap3A_305], %concatenate3A {strides = array<i32>} : memref<10x1280xf32, #tpu.memory_space<vmem>>, vector<10x1280xf32>,
    %swap3A_307 = arith.constant 0 : index
    %swap3A_308 = arith.constant 0 : index
    %swap3A_309 = vector.load %arg5[%swap3A_307, %swap3A_308] : memref<10x1280xf32, #tpu.memory_space<vmem>>, vector<10x1280xf32>
    tpu.vector_store %arg5[%swap3A_307, %swap3A_308], %concatenate3A_304 {strides = array<i32>} : memref<10x1280xf32, #tpu.memory_space<vmem>>, vector<10x1280xf32>,
    return
  }
  func.func @transform_0(%arg0: i32) -> (i32, i32, i32) {
    %c0_i32 = arith.constant 0 : i32
    %c0_i32_0 = arith.constant 0 : i32
    %c0_i32_1 = arith.constant 0 : i32
    return %c0_i32, %arg0, %c0_i32_0 : i32, i32, i32
  }
  func.func @transform_1(%arg0: i32) -> (i32, i32) {
    %c0_i32 = arith.constant 0 : i32
    %c0_i32_0 = arith.constant 0 : i32
    %c0_i32_1 = arith.constant 0 : i32
    return %c0_i32, %c0_i32_0 : i32, i32
  }
  func.func @transform_2(%arg0: i32) -> (i32, i32) {
    %c0_i32 = arith.constant 0 : i32
    %c0_i32_0 = arith.constant 0 : i32
    %c0_i32_1 = arith.constant 0 : i32
    return %c0_i32, %c0_i32_0 : i32, i32
  }
  func.func @transform_3(%arg0: i32) -> (i32, i32) {
    %c0_i32 = arith.constant 0 : i32
    %c0_i32_0 = arith.constant 0 : i32
    return %c0_i32, %arg0 : i32, i32
  }
  func.func @transform_4(%arg0: i32) -> (i32, i32) {
    %c0_i32 = arith.constant 0 : i32
    %c0_i32_0 = arith.constant 0 : i32
    return %c0_i32, %arg0 : i32, i32
  }
}

</mosaic_0001>

<sc_bundles>
// kernel: kernel.5.cloned.1.call-start
scs
__scs_entry_jumppad:
0x0: {  	(pc) =	sbr.rel $0x88, $3  }
0x1: {  	(tag) =	ssettag $0x0;
	lr =	simm.s32 $0x1  }
0x2: {  	[smem:$0x3F99] =	sst lr;
	_ =	strace $0xD0000000  }
0x3: {  	_ = 	snop  }
0x4: {  	_ = 	snop  }
0x5: {  	_ = 	snop  }
0x6: {  	_ = 	snop  }
0x7: {  	_ = 	snop  }
__scs_overlays_trampoline_lowered:
0x8: {  	[smem:$0x3FA8] =	sst s0  }
0x9: {  	[smem:$0x3FA9] =	sst s1  }
0xa: {  	[smem:$0x3FAA] =	sst s2  }
0xb: {  	[smem:$0x3FAB] =	sst s3  }
0xc: {  	[smem:$0x3FAC] =	sst s4  }
0xd: {  	[smem:$0x3FAD] =	sst s5  }
0xe: {  	[smem:$0x3FAE] =	sst s6  }
0xf: {  	[smem:$0x3FAF] =	sst s7  }
0x10: {  	[smem:$0x3FB0] =	sst s8  }
0x11: {  	[smem:$0x3FB1] =	sst s9;
	s0 =	simm.s32 @!p0 $0x0  }
0x12: {  	s1 =	sld [smem:$0x3F97];
	s0 =	simm.s32 @p0 $0x1  }
0x13: {  	[smem:$0x3FB2] =	sst s0;
	s0 =	simm.s32 @!p1 $0x0  }
0x14: {  	s2 =	sld [smem:$0x3F96];
	s0 =	simm.s32 @p1 $0x1  }
0x15: {  	[smem:$0x3FB3] =	sst s0;
	s0 =	simm.s32 @!p2 $0x0  }
0x16: {  	s3 =	sld [smem:$0x3FDB];
	s0 =	simm.s32 @p2 $0x1  }
0x17: {  	s4 =	simm.s32 $0x1BF5;
	[smem:$0x3FB5] =	sst s0  }
0x18: {  	s0 =	sld [smem:$0x3F98];
	_ =	swait.ge [sflag:s4], $0x0  }
0x19: {  	s7 =	sld [smem:$0x3F99]  }
0x1a: {  	s8 =	sadd.s32 $0xFFFFE003, lr  }
0x1b: {  	s9 =	sadd.s32 $0xFFFFFEF7, lr;
	s5 =	simm.s32 $0xFFFFFFFF;
	p2 =	slt.u32 s8, $0xFFFFF086  }
0x1c: {  	p1 =	slt.u32 s9, $0xF7A;
	s5 =	simm.s32 @!p2 $0x0  }
0x1d: {  	s5 =	simm.s32 @p1 $0x1;
	p0 =	seq.s32 s7, s2  }
0x1e: {  	s7 =	smul.u32 @!p0 $0xF7A, s2;
	p2 =	seq.s32 @!p0 s5, $0x0  }
0x1f: {  	s9 =	smul.u32 $0xF7A, s1;
	s8 =	simm.s32 @!p0 $0x1BF5;
	p2 =	por !p2, p0  }
0x20: {  	[sflag:s8] =	ssyncset.s32 @!p0 $0xFFFFF086;
	s6 =	sadd.s32 @!p0 s3, s7;
	s7 =	simm.s32 @!p0 $0x108  }
0x21: {  	s3 =	sadd.s32 s3, s9;
	s6 =	sadd.s32 @!p0 $0x88, s6;
	s7 =	simm.s32 @p2 $0x1082  }
0x22: {  	[simem:s7], [sflag:s8] =	dma.local @!p0 [hbm:s6], $0xF7A  }
0x23: {  	s9 =	sor.u32 $0xD0000000, s2;
	s6 =	simm.s32 $0x108;
	_ =	swait.ge @!p0 [sflag:s8], $0x0  }
0x24: {  	s3 =	sadd.s32 $0x88, s3;
	s6 =	simm.s32 @!p1 $0x1082;
	[sflag:s4] =	ssyncset.s32 $0xFFFFF086  }
0x25: {  	[simem:s6], [sflag:s4] =	dma.local [hbm:s3], $0xF7A  }
0x26: {  	[smem:$0x3F99] =	sst s1;
	(tag) =	ssettag s2;
	_ =	strace s9  }
0x27: {  	s1 =	sld [smem:$0x3FA9]  }
0x28: {  	s2 =	sld [smem:$0x3FAA]  }
0x29: {  	s4 =	sld [smem:$0x3FAC]  }
0x2a: {  	p0 =	seq.s32 s5, $0x0;
	s5 =	sld [smem:$0x3FAD]  }
0x2b: {  	s6 =	sld [smem:$0x3FAE]  }
0x2c: {  	s7 =	sld [smem:$0x3FAF]  }
0x2d: {  	s3 =	simm.s32 $0x108;
	s8 =	sld [smem:$0x3FB0]  }
0x2e: {  	s3 =	simm.s32 @!p0 $0x1082;
	s9 =	sld [smem:$0x3FB1]  }
0x2f: {  	lr =	sadd.s32 s0, s3;
	s0 =	sld [smem:$0x3FA8]  }
0x30: {  	s3 =	sld [smem:$0x3FAB]  }
0x31: {  	[smem:$0x3FB4] =	sst s10  }
0x32: {  	s10 =	sld [smem:$0x3FB2];
	_ =	sdelay $0x3  }
0x33: {  	p0 =	seq.s32 s10, $0x1;
	s10 =	sld [smem:$0x3FB4];
	_ =	sdelay $0x3  }
0x34: {  	[smem:$0x3FB4] =	sst s10  }
0x35: {  	s10 =	sld [smem:$0x3FB3];
	_ =	sdelay $0x3  }
0x36: {  	p1 =	seq.s32 s10, $0x1;
	s10 =	sld [smem:$0x3FB4];
	_ =	sdelay $0x3  }
0x37: {  	[smem:$0x3FB4] =	sst s10  }
0x38: {  	s10 =	sld [smem:$0x3FB5]  }
0x39: {  	_ = 	snop;
	(pc) =	sbr.ind lr, $3  }
0x3a: {  	_ = 	snop  }
0x3b: {  	_ = 	snop  }
0x3c: {  	p2 =	seq.s32 s10, $0x1;
	s10 =	sld [smem:$0x3FB4]  }
0x3d: {  	_ =	shalt  }
0x3e: {  	_ =	shalt  }
0x3f: {  	_ =	shalt  }
0x40: {  	_ =	shalt  }
0x41: {  	_ =	shalt  }
0x42: {  	_ =	shalt  }
0x43: {  	_ =	shalt  }
0x44: {  	_ =	shalt  }
0x45: {  	_ =	shalt  }
0x46: {  	_ =	shalt  }
0x47: {  	_ =	shalt  }
0x48: {  	_ =	shalt  }
0x49: {  	_ =	shalt  }
0x4a: {  	_ =	shalt  }
0x4b: {  	_ =	shalt  }
0x4c: {  	_ =	shalt  }
0x4d: {  	_ =	shalt  }
0x4e: {  	_ =	shalt  }
0x4f: {  	_ =	shalt  }
0x50: {  	_ =	shalt  }
0x51: {  	_ =	shalt  }
0x52: {  	_ =	shalt  }
0x53: {  	_ =	shalt  }
0x54: {  	_ =	shalt  }
0x55: {  	_ =	shalt  }
0x56: {  	_ =	shalt  }
0x57: {  	_ =	shalt  }
0x58: {  	_ =	shalt  }
0x59: {  	_ =	shalt  }
0x5a: {  	_ =	shalt  }
0x5b: {  	_ =	shalt  }
0x5c: {  	_ =	shalt  }
0x5d: {  	_ =	shalt  }
0x5e: {  	_ =	shalt  }
0x5f: {  	_ =	shalt  }
0x60: {  	_ =	shalt  }
0x61: {  	_ =	shalt  }
0x62: {  	_ =	shalt  }
0x63: {  	_ =	shalt  }
0x64: {  	_ =	shalt  }
0x65: {  	_ =	shalt  }
0x66: {  	_ =	shalt  }
0x67: {  	_ =	shalt  }
0x68: {  	_ =	shalt  }
0x69: {  	_ =	shalt  }
0x6a: {  	_ =	shalt  }
0x6b: {  	_ =	shalt  }
0x6c: {  	_ =	shalt  }
0x6d: {  	_ =	shalt  }
0x6e: {  	_ =	shalt  }
0x6f: {  	_ =	shalt  }
0x70: {  	_ =	shalt  }
0x71: {  	_ =	shalt  }
0x72: {  	_ =	shalt  }
0x73: {  	_ =	shalt  }
0x74: {  	_ =	shalt  }
0x75: {  	_ =	shalt  }
0x76: {  	_ =	shalt  }
0x77: {  	_ =	shalt  }
0x78: {  	_ =	shalt  }
0x79: {  	_ =	shalt  }
0x7a: {  	_ =	shalt  }
0x7b: {  	_ =	shalt  }
0x7c: {  	_ =	shalt  }
0x7d: {  	_ =	shalt  }
0x7e: {  	_ =	shalt  }
0x7f: {  	_ =	shalt  }
0x80: {  	_ =	shalt  }
0x81: {  	_ =	shalt  }
0x82: {  	_ =	shalt  }
0x83: {  	_ =	shalt  }
0x84: {  	_ =	shalt  }
0x85: {  	_ =	shalt  }
0x86: {  	_ =	shalt  }
0x87: {  	_ =	shalt  }
.Lfunc_end0:
.L_simem_size_0:
called_computation_lowered:
.L_overlay_start_0:
0x88: {  	s2 =	sld [smem:$0x3FD9]  }
0x89: {  	s3 =	sld [smem:$0x3FFE];
	_ =	sdelay $0x1  }
0x8a: {  	s1 =	srdreg.scid  }
0x8b: {  	s0 =	sand.u32 $0x1, s1  }
0x8c: {  	s14 =	sshll.u32 s0, $0xA;
	s2 =	sadd.s32 s3, s2  }
0x8d: {  	s2 =	sadd.s32 s2, s14  }
0x8e: {  	[smem:$0x3FC0] =	sst s2  }
0x8f: {  	_ = 	snop  }
0x90: {  	s2 =	sld [smem:$0x3FD0];
	_ =	sdelay $0x2  }
0x91: {  	s15 =	simm.s32 $0xA;
	s4 =	simm.s32 $0x10  }
0x92: {  	[smem:s4], [sflag:s15] =	dma.local [hbm:s2], $0x1  }
0x93: {  	_ =	swait.eq [sflag:s15], $0x1  }
0x94: {  	[sflag:s15] =	ssyncset.done $0x0  }
0x95: {  	[sflag:s15] =	ssyncadd.s32 $0xFFFFFFFF  }
0x96: {  	s16 =	sld [smem:$0x10];
	(tm) =	ssettm $0x1  }
0x97: {  	s17 =	sld [smem:$0x3FFB];
	_ =	sdelay $0x3  }
0x98: {  	_ =	strace s17  }
0x99: {  	s3 =	sld [smem:$0x3FFC];
	_ =	sdelay $0x3  }
0x9a: {  	_ =	strace s3  }
0x9b: {  	s3 =	sld [smem:$0x3FFD];
	_ =	sdelay $0x3  }
0x9c: {  	_ =	strace s3  }
0x9d: {  	_ =	strace $0x8FFFFFFF  }
0x9e: {  	s18 =	sld [smem:$0x3FDB];
	_ =	sdelay $0x1  }
0x9f: {  	s19 =	simm.s32 $_scs_section_size  }
0xa0: {  	s5 =	simm.s32 $_size__tile_overlayer_lowered;
	s6 =	simm.s32 $_tile_overlayer_lowered  }
0xa1: {  	s22 =	simm.s32 $0x1BFF;
	s21 =	sshll.u32 s6, $0x1;
	s3 =	sadd.s32 s19, s18  }
0xa2: {  	s7 =	simm.s32 $0x0;
	s20 =	sshll.u32 s5, $0x1;
	s5 =	sadd.s32 s21, s3  }
0xa3: {  	[timem:s7], [sflag:s22] =	dma.local [hbm:s5], s20  }
0xa4: {  	_ =	swait.ge [sflag:s22], s20  }
0xa5: {  	s4 =	ssub.s32 $0x0, s20;
	[sflag:s22] =	ssyncset.done $0x0  }
0xa6: {  	[sflag:s22] =	ssyncadd.s32 s4;
	_ =	sdelay $0x1  }
0xa7: {  	s23 =	simm.s32 $0x1B8B  }
0xa8: {  	_ =	swait.ge [sflag:s23], $0x1  }
0xa9: {  	[sflag:s23] =	ssyncset.done $0x0  }
0xaa: {  	s25 =	simm.s32 $0x1B8E;
	s24 =	sld [smem:$0x3FFE];
	[sflag:s23] =	ssyncadd.s32 $0xFFFFFFFF  }
0xab: {  	s26 =	simm.s32 $execute0_lowered;
	[smem:$0x3FD2] =	sst s25  }
0xac: {  	s5 =	sshll.u32 s26, $0x1;
	_ =	strace $0x80000046;
	[dreg:$0x1] =	wrdreg $0xFFFFFFFF  }
0xad: {  	s28 =	simm.s32 $_size_execute0_lowered;
	s3 =	sadd.s32 s3, s5;
	[dreg:$0x0] =	wrdreg $0x0  }
0xae: {  	s5 =	sshll.u32 s28, $0x1;
	[dreg:$0x2] =	wrdreg s3  }
0xaf: {  	[dreg:$0x3] =	wrdreg s5  }
0xb0: {  	[dreg:$0x4] =	wrdreg $0xC0  }
0xb1: {  	_ =	task [dreg:s7], $0x5FFFF  }
0xb2: {  	[dreg:$0x1] =	wrdreg $0xFFFFFFFF  }
0xb3: {  	[dreg:$0x0] =	wrdreg $0x60  }
0xb4: {  	[dreg:$0x2] =	wrdreg s24  }
0xb5: {  	[dreg:$0x3] =	wrdreg s16  }
0xb6: {  	[dreg:$0x4] =	wrdreg $0x148000  }
0xb7: {  	[dreg:$0x5] =	wrdreg $0x198000  }
0xb8: {  	[dreg:$0x6] =	wrdreg $0x9  }
0xb9: {  	_ =	task.clear_ibuf [dreg:s7], $0x7FFFF;
	_ =	strace $0x90000046  }
0xba: {  	s29 =	simm.s32 $0x9;
	_ =	strace $0x80000048  }
0xbb: {  	_ =	swait.ge [sflag:s29], $0x1  }
0xbc: {  	[sflag:s29] =	ssyncadd.s32 $0xFFFFFFFF  }
0xbd: {  	_ =	strace $0x90000048  }
0xbe: {  	_ =	sfence  }
0xbf: {  	s30 =	sld [smem:$0x0];
	_ =	sdelay $0x2  }
0xc0: {  	s31 =	sshll.u32 s1, $0xD;
	s1 =	sshrl.u32 s1, $0x2  }
0xc1: {  	s3 =	sand.u32 $0x4000, s31;
	s1 =	sadd.s32 s1, s30  }
0xc2: {  	s0 =	sor.u32 s3, s0;
	s1 =	sshll.u32 s1, $0x11  }
0xc3: {  	s0 =	sor.u32 s1, s0  }
0xc4: {  	s0 =	sadd.s32 $0x8F2B, s0  }
0xc5: {  	[sflag:s0] =	ssyncadd.remote.s32 $0x1  }
0xc6: {  	_ =	sfence.sel $0xFFFF  }
0xc7: {  	[dreg:$0x0] =	wrdreg $0xFFFFFFFF;
	(pc) =	sbr.abs _section_cstart, $3  }
0xc8: {  	[dreg:$0x1] =	wrdreg $0xFFFFFFFF  }
0xc9: {  	_ =	task.clear_ibuf [dreg:s7], $0x2FFFF;
	_ =	strace $0x9FFFFFFF  }
0xca: {  	(tm) =	ssettm $0x7FFFFFFF  }
0xcb: {  	_ =	shalt  }
tec
execute0_lowered:
.L_overlay_start_1:
0x0: {  	(tag) =	ssettag $0x1  }
0x1: {  	s0 =	rddreg [dreg:$0x0]  }
0x2: {  	s2 =	rddreg [dreg:$0x1]  }
0x3: {  	s3 =	rddreg [dreg:$0x2]  }
0x4: {  	s4 =	rddreg [dreg:$0x3]  }
0x5: {  	s7 =	stileid.u32;
	s5 =	simm.s32 $0x0;
	s6 =	srdreg.scid  }
0x6: {  	s18 =	simm.s32 $0x9;
	s28 =	simm.s32 $0x10000;
	s29 =	simm.s32 $0x5  }
0x7: {  	s30 =	simm.s32 $0x6;
	s31 =	simm.s32 $0x7;
	s1 =	smul.u32 $0x5000, s7  }
0x8: {  	[smem:$0x7FF] =	sst s5;
	s8 =	sand.u32 $0x1, s6;
	s10 =	smul.u32 $0x14000, s7  }
0x9: {  	s6 =	sadd.s32 $0x15600, s0;
	s7 =	smul.u32 $0x280, s7;
	_ =	strace $0x80000047  }
0xa: {  	s9 =	ssub.s32 $0x2, s8;
	s1 =	sshrl.u32 s1, $0x3;
	s20 =	sshrl.u32 s10, $0x2  }
0xb: {  	s8 =	smul.u32 $0x2800, s8;
	s1 =	sadd.s32 s1, s0;
	s22 =	sadd.s32 s20, s3  }
0xc: {  	s19 =	sshrl.u32 s9, $0x1;
	s21 =	sadd.s32 $0x1600, s1;
	[dreg:$0x7] =	wrdreg s22  }
0xd: {  	s0 =	ssub.s32 s9, s19;
	s1 =	sadd.s32 $0xB600, s1;
	[dreg:$0x5] =	wrdreg s21  }
0xe: {  	s12 =	sadd.s32 s7, s8;
	s0 =	smax.u32 s0, $0x1;
	[dreg:$0x6] =	wrdreg s1  }
0xf: {  	s19 =	simm.s32 $0x5000;
	s23 =	sadd.s32 $0x1000, s22;
	[dreg:$0x8] =	wrdreg s0  }
0x10: {  	s20 =	simm.s32 $0xA000;
	s24 =	sadd.s32 $0x2000, s22;
	[dreg:$0x9] =	wrdreg s23  }
0x11: {  	s9 =	simm.s32 $0x0;
	s25 =	sadd.s32 $0x3000, s22;
	[dreg:$0xa] =	wrdreg s24  }
0x12: {  	s26 =	sadd.s32 $0x4000, s22;
	s22 =	simm.s32 $0xC000;
	[dreg:$0xb] =	wrdreg s25  }
0x13: {  	[dreg:$0xc] =	wrdreg s26;
	s21 =	simm.s32 $0x100;
	s23 =	simm.s32 $0xE000  }
0x14: {  	v0 =	vimm.f32 $1.000000000e+00;
	s25 =	simm.s32 $0x1;
	s26 =	simm.s32 $0x300;
	s0 =	simm.s32 $0x8  }
.LBB2_1:
0x15: {  	[dreg:$0xd] =	wrdreg s9  }
0x16: {  	s1 =	rddreg [dreg:$0x5]  }
0x17: {  	[tilespmem:s5], [sflag:$0x9] =	stream.linear.gather [hbm4b:s1+s5], $0x5000, $0x38;
	[tilespmem:$0x1E800] =	vst v63  }
0x18: {  	_ =	swait.ge [sflag:s18], $0x5000  }
0x19: {  	[sflag:s18] =	ssyncset.done $0x0  }
0x1a: {  	s16 =	rddreg [dreg:$0x6];
	[sflag:s18] =	ssyncadd.s32 $0xFFFFB000  }
0x1b: {  	[tilespmem:s19], [sflag:$0x9] =	stream.linear.gather [hbm4b:s16+s5], $0x5000, $0x38;
	[tilespmem:$0x1E800] =	vst v63  }
0x1c: {  	s17 =	sand.u32 $0x7F80, s5;
	s24 =	sand.u32 $0x10, s5;
	_ =	swait.ge [sflag:s18], $0x5000  }
0x1d: {  	s9 =	simm.s32 $0x0;
	s10 =	sshrl.u32 s17, $0x2;
	[sflag:s18] =	ssyncset.done $0x0  }
0x1e: {  	s1 =	simm.s32 $0x40;
	s10 =	sor.u32 s24, s10;
	[sflag:s18] =	ssyncadd.s32 $0xFFFFB000  }
.LBB2_2:
0x1f: {  	p0 =	sne.s32 s1, $0x7FC0  }
0x20: {  	[tilespmem:s10+$0xA000] =	vst v0;
	s9 =	sadd.s32 $0x10, s9;
	s10 =	smov.u32 s1;
	s1 =	sadd.s32 $0x40, s1  }
.Ltmp0:
0x21: {  	(pc) =	sbr.rel @p0 .LBB2_2-.Ltmp0, $4  }
0x22: {  	_ = 	snop  }
0x23: {  	s10 =	sand.u32 $0x7F80, s10  }
0x24: {  	s11 =	sand.u32 $0x10, s9;
	s10 =	sshrl.u32 s10, $0x2  }
0x25: {  	s10 =	sor.u32 s11, s10  }
0x26: {  	[tilespmem:s10+$0xA000] =	vst v0;
	s1 =	rddreg [dreg:$0x7]  }
0x27: {  	[spmem:s1] =	stream.linear.scatter [tilespmem:s20], [sflag:$0x9], $0x1000, $0x38;
	[tilespmem:$0x1E800] =	vst v63  }
0x28: {  	_ =	swait.ge [sflag:s18], $0x1000  }
0x29: {  	[sflag:s18] =	ssyncset.done $0x0  }
0x2a: {  	s14 =	rddreg [dreg:$0x9];
	[sflag:s18] =	ssyncadd.s32 $0xFFFFF000  }
0x2b: {  	[spmem:s14] =	stream.linear.scatter [tilespmem:s20], [sflag:$0x9], $0x1000, $0x38;
	[tilespmem:$0x1E800] =	vst v63  }
0x2c: {  	_ =	swait.ge [sflag:s18], $0x1000  }
0x2d: {  	[sflag:s18] =	ssyncset.done $0x0  }
0x2e: {  	s15 =	rddreg [dreg:$0xa];
	[sflag:s18] =	ssyncadd.s32 $0xFFFFF000  }
0x2f: {  	[spmem:s15] =	stream.linear.scatter [tilespmem:s20], [sflag:$0x9], $0x1000, $0x38;
	[tilespmem:$0x1E800] =	vst v63  }
0x30: {  	_ =	swait.ge [sflag:s18], $0x1000  }
0x31: {  	[sflag:s18] =	ssyncset.done $0x0  }
0x32: {  	s16 =	rddreg [dreg:$0xb];
	[sflag:s18] =	ssyncadd.s32 $0xFFFFF000  }
0x33: {  	[spmem:s16] =	stream.linear.scatter [tilespmem:s20], [sflag:$0x9], $0x1000, $0x38;
	[tilespmem:$0x1E800] =	vst v63  }
0x34: {  	_ =	swait.ge [sflag:s18], $0x1000  }
0x35: {  	[sflag:s18] =	ssyncset.done $0x0  }
0x36: {  	s17 =	rddreg [dreg:$0xc];
	[sflag:s18] =	ssyncadd.s32 $0xFFFFF000  }
0x37: {  	[spmem:s17] =	stream.linear.scatter [tilespmem:s20], [sflag:$0x9], $0x1000, $0x38;
	[tilespmem:$0x1E800] =	vst v63  }
0x38: {  	_ =	swait.ge [sflag:s18], $0x1000  }
0x39: {  	[sflag:s18] =	ssyncset.done $0x0  }
0x3a: {  	[sflag:s18] =	ssyncadd.s32 $0xFFFFF000  }
0x3b: {  	s24 =	simm.s32 $0x5000;
	[bflag:$0x0] =	sbarrier.arrive $0xFFFF  }
0x3c: {  	[spmem:s3] =	stream.indirect.scatter.add.f32 [tilespmem:s20], [sflag:$0x9], $0x20, s24, s21, $0xb8;
	[tilespmem:$0x1E800] =	vst v63  }
0x3d: {  	s1 =	simm.s32 $0x400;
	_ =	swait.ge [sflag:s18], $0x2000  }
.LBB2_4:
0x3e: {  	s9 =	sshra.s32 s1, $0x2;
	[sflag:s18] =	ssyncset.done $0x0;
	p0 =	sne.s32 s1, $0x13C00  }
.Ltmp1:
0x3f: {  	s9 =	sadd.s32 $0x5000, s9;
	[sflag:s18] =	ssyncadd.s32 $0xFFFFE000;
	(pc) =	sbr.rel @p0 .LBB2_4-.Ltmp1, $3  }
0x40: {  	[spmem:s3] =	stream.indirect.scatter.add.f32 [tilespmem:s20], [sflag:$0x9], $0x20, s9, s21, $0xb8;
	[tilespmem:$0x1E800] =	vst v63  }
0x41: {  	s1 =	sadd.s32 $0x400, s1;
	_ =	sdelay $0x1  }
0x42: {  	_ =	swait.ge [sflag:s18], $0x2000  }
0x43: {  	[sflag:s18] =	ssyncset.done $0x0  }
0x44: {  	[sflag:s18] =	ssyncadd.s32 $0xFFFFE000  }
0x45: {  	s9 =	simm.s32 $0x0;
	s10 =	simm.s32 $0x12000;
	[bflag:$0x0] =	sbarrier.arrive $0xFFFF  }
.LBB2_6:
0x46: {  	s1 =	sshll.u32 s9, $0x7  }
0x47: {  	s1 =	sadd.s32 s7, s1  }
0x48: {  	s1 =	sshll.u32 s1, $0x5  }
0x49: {  	s1 =	sand.u32 $0x3FFFFFE0, s1  }
0x4a: {  	s14 =	simm.s32 $0x10000;
	s1 =	sadd.s32 s1, s3  }
0x4b: {  	[tilespmem:s14], [sflag:$0x9] =	stream.linear.gather [spmem:s1], $0x1000, $0x38;
	[tilespmem:$0x1E800] =	vst v63  }
0x4c: {  	_ =	swait.ge [sflag:s18], $0x1000  }
0x4d: {  	[sflag:s18] =	ssyncset.done $0x0  }
0x4e: {  	[sflag:s18] =	ssyncadd.s32 $0xFFFFF000  }
0x4f: {  	v1 =	vmov s10;
	s15 =	simm.s32 $0x40;
	s13 =	simm.s32 $0x0;
	v2 =	vld [tilespmem:s14+$0x0]  }
.LBB2_7:
0x50: {  	p0 =	sne.s32 s15, $0x1FC0;
	_ =	sdelay $0x3  }
0x51: {  	v3 =	vadd.f32 $1.000000000e+00, v2;
	_ =	sdelay $0x1  }
0x52: {  	v3 =	vmul.f32 $5.000000000e-01, v3;
	_ =	sdelay $0x1  }
0x53: {  	(erf) = vrcp.f32 v3;
	_ =	sdelay $0x8  }
0x54: {  	v4 =	vpop (erf)  }
0x55: {  	v4 =	vmul.f32 v4, v2;
	_ =	sdelay $0x1  }
0x56: {  	v3 =	vadd.f32 v4, v3;
	_ =	sdelay $0x1  }
0x57: {  	v3 =	vmul.f32 $5.000000000e-01, v3;
	_ =	sdelay $0x1  }
0x58: {  	(erf) = vrcp.f32 v3;
	_ =	sdelay $0x8  }
0x59: {  	v4 =	vpop (erf)  }
0x5a: {  	v4 =	vmul.f32 v4, v2;
	_ =	sdelay $0x1  }
0x5b: {  	v3 =	vadd.f32 v4, v3;
	_ =	sdelay $0x1  }
0x5c: {  	v3 =	vmul.f32 $5.000000000e-01, v3;
	_ =	sdelay $0x1  }
0x5d: {  	(erf) = vrcp.f32 v3;
	_ =	sdelay $0x8  }
0x5e: {  	v4 =	vpop (erf)  }
0x5f: {  	v4 =	vmul.f32 v4, v2;
	_ =	sdelay $0x1  }
0x60: {  	v3 =	vadd.f32 v4, v3;
	_ =	sdelay $0x1  }
0x61: {  	v3 =	vmul.f32 $5.000000000e-01, v3;
	_ =	sdelay $0x1  }
0x62: {  	(erf) = vrcp.f32 v3;
	_ =	sdelay $0x8  }
0x63: {  	v4 =	vpop (erf)  }
0x64: {  	v4 =	vmul.f32 v4, v2;
	_ =	sdelay $0x1  }
0x65: {  	v3 =	vadd.f32 v4, v3;
	_ =	sdelay $0x1  }
0x66: {  	v3 =	vmul.f32 $5.000000000e-01, v3;
	_ =	sdelay $0x1  }
0x67: {  	(erf) = vrcp.f32 v3;
	_ =	sdelay $0x8  }
0x68: {  	v4 =	vpop (erf)  }
0x69: {  	v4 =	vmul.f32 v4, v2;
	_ =	sdelay $0x1  }
0x6a: {  	v3 =	vadd.f32 v4, v3;
	_ =	sdelay $0x1  }
0x6b: {  	v3 =	vmul.f32 $5.000000000e-01, v3;
	_ =	sdelay $0x1  }
0x6c: {  	(erf) = vrcp.f32 v3;
	_ =	sdelay $0x8  }
0x6d: {  	v4 =	vpop (erf)  }
0x6e: {  	v4 =	vmul.f32 v4, v2;
	_ =	sdelay $0x1  }
0x6f: {  	v3 =	vadd.f32 v4, v3;
	_ =	sdelay $0x1  }
0x70: {  	v3 =	vmul.f32 $5.000000000e-01, v3;
	_ =	sdelay $0x1  }
0x71: {  	(erf) = vrcp.f32 v3;
	_ =	sdelay $0x8  }
0x72: {  	v4 =	vpop (erf)  }
0x73: {  	v3 =	vmul.f32 v4, v3;
	_ =	sdelay $0x1  }
0x74: {  	v3 =	vsub.f32 $2.000000000e+00, v3;
	_ =	sdelay $0x1  }
0x75: {  	v2 =	vmul.f32 $5.000000000e-01, v2;
	v3 =	vmul.f32 v3, v4;
	_ =	sdelay $0x1  }
0x76: {  	v2 =	vmul.f32 v3, v2;
	_ =	sdelay $0x1  }
0x77: {  	v2 =	vmul.f32 v2, v3;
	_ =	sdelay $0x1  }
0x78: {  	v2 =	vsub.f32 $1.500000000e+00, v2  }
.Ltmp2:
0x79: {  	(pc) =	sbr.rel @p0 .LBB2_7-.Ltmp2, $4  }
0x7a: {  	v2 =	vmul.f32 v2, v3  }
0x7b: {  	s1 =	sshra.s32 s13, $0x2;
	s13 =	smov.u32 s15  }
0x7c: {  	s14 =	sadd.s32 $0x20, s14;
	[tilespmem:v1+s1+$0x0 ss:$0x1] =	vst.idx.msk $0xffff, v2  }
0x7d: {  	s15 =	sadd.s32 $0x40, s15;
	v2 =	vld [tilespmem:s14+$0x0]  }
0x7e: {  	_ =	sdelay $0x3  }
0x7f: {  	v3 =	vadd.f32 $1.000000000e+00, v2;
	_ =	sdelay $0x1  }
0x80: {  	v3 =	vmul.f32 $5.000000000e-01, v3;
	_ =	sdelay $0x1  }
0x81: {  	(erf) = vrcp.f32 v3;
	_ =	sdelay $0x8  }
0x82: {  	v4 =	vpop (erf)  }
0x83: {  	v4 =	vmul.f32 v4, v2;
	_ =	sdelay $0x1  }
0x84: {  	v3 =	vadd.f32 v4, v3;
	_ =	sdelay $0x1  }
0x85: {  	v3 =	vmul.f32 $5.000000000e-01, v3;
	_ =	sdelay $0x1  }
0x86: {  	(erf) = vrcp.f32 v3;
	_ =	sdelay $0x8  }
0x87: {  	v58 =	vpop (erf)  }
0x88: {  	v4 =	vmul.f32 v58, v2;
	_ =	sdelay $0x1  }
0x89: {  	v3 =	vadd.f32 v4, v3;
	_ =	sdelay $0x1  }
0x8a: {  	v3 =	vmul.f32 $5.000000000e-01, v3;
	_ =	sdelay $0x1  }
0x8b: {  	(erf) = vrcp.f32 v3;
	_ =	sdelay $0x8  }
0x8c: {  	v59 =	vpop (erf)  }
0x8d: {  	v4 =	vmul.f32 v59, v2;
	_ =	sdelay $0x1  }
0x8e: {  	v3 =	vadd.f32 v4, v3;
	_ =	sdelay $0x1  }
0x8f: {  	v3 =	vmul.f32 $5.000000000e-01, v3;
	_ =	sdelay $0x1  }
0x90: {  	(erf) = vrcp.f32 v3;
	_ =	sdelay $0x8  }
0x91: {  	v60 =	vpop (erf)  }
0x92: {  	v4 =	vmul.f32 v60, v2;
	_ =	sdelay $0x1  }
0x93: {  	v3 =	vadd.f32 v4, v3;
	_ =	sdelay $0x1  }
0x94: {  	v3 =	vmul.f32 $5.000000000e-01, v3;
	_ =	sdelay $0x1  }
0x95: {  	(erf) = vrcp.f32 v3;
	_ =	sdelay $0x8  }
0x96: {  	v61 =	vpop (erf)  }
0x97: {  	v4 =	vmul.f32 v61, v2;
	_ =	sdelay $0x1  }
0x98: {  	v3 =	vadd.f32 v4, v3;
	_ =	sdelay $0x1  }
0x99: {  	v3 =	vmul.f32 $5.000000000e-01, v3;
	_ =	sdelay $0x1  }
0x9a: {  	(erf) = vrcp.f32 v3;
	_ =	sdelay $0x8  }
0x9b: {  	v62 =	vpop (erf)  }
0x9c: {  	v4 =	vmul.f32 v62, v2;
	_ =	sdelay $0x1  }
0x9d: {  	v3 =	vadd.f32 v4, v3;
	_ =	sdelay $0x1  }
0x9e: {  	v3 =	vmul.f32 $5.000000000e-01, v3;
	_ =	sdelay $0x1  }
0x9f: {  	(erf) = vrcp.f32 v3;
	_ =	sdelay $0x8  }
0xa0: {  	v63 =	vpop (erf)  }
0xa1: {  	v3 =	vmul.f32 v63, v3;
	_ =	sdelay $0x1  }
0xa2: {  	v3 =	vsub.f32 $2.000000000e+00, v3;
	_ =	sdelay $0x1  }
0xa3: {  	v2 =	vmul.f32 $5.000000000e-01, v2;
	v3 =	vmul.f32 v3, v63;
	_ =	sdelay $0x1  }
0xa4: {  	v2 =	vmul.f32 v3, v2;
	_ =	sdelay $0x1  }
0xa5: {  	s9 =	sadd.s32 $0x1, s9;
	v2 =	vmul.f32 v2, v3  }
0xa6: {  	p0 =	sne.s32 s9, $0x5  }
.Ltmp3:
0xa7: {  	v2 =	vsub.f32 $1.500000000e+00, v2;
	(pc) =	sbr.rel @p0 .LBB2_6-.Ltmp3, $4  }
0xa8: {  	_ = 	snop  }
0xa9: {  	v2 =	vmul.f32 v2, v3  }
0xaa: {  	s1 =	sshra.s32 s13, $0x2  }
0xab: {  	s10 =	sadd.s32 $0x800, s10;
	[tilespmem:v1+s1+$0x0 ss:$0x1] =	vst.idx.msk $0xffff, v2  }
0xac: {  	s9 =	simm.s32 $0x0;
	s10 =	simm.s32 $0x12000;
	s13 =	simm.s32 $0x0  }
.LBB2_10:
0xad: {  	s11 =	sshll.u32 s13, $0x7  }
0xae: {  	s1 =	sadd.s32 s11, s12  }
0xaf: {  	s1 =	sshll.u32 s1, $0x2  }
0xb0: {  	s1 =	sadd.s32 s6, s1  }
0xb1: {  	v1 =	vmov s10;
	[tilespmem:s22], [sflag:$0x9] =	stream.linear.gather [hbm4b:s1+s9], $0x1000, $0x38;
	[tilespmem:$0x1E800] =	vst v63  }
0xb2: {  	_ =	swait.ge [sflag:s18], $0x1000  }
0xb3: {  	[sflag:s18] =	ssyncset.done $0x0  }
0xb4: {  	s15 =	simm.s32 $0xE010;
	[sflag:s18] =	ssyncadd.s32 $0xFFFFF000  }
0xb5: {  	s16 =	simm.s32 $0x0;
	s14 =	simm.s32 $0xE010;
	s1 =	simm.s32 $0x40;
	v2 =	vld [tilespmem:s15+$0xFFFFDFF0]  }
.LBB2_11:
0xb6: {  	p0 =	sne.s32 s1, $0x1FC0;
	v3 =	vld.idx.msk [tilespmem:v1+s16+$0x0 ss:$0x1], $0xffff  }
0xb7: {  	v4 =	vld [tilespmem:s15+$0xFFFFE000];
	_ =	sdelay $0x3  }
.Ltmp4:
0xb8: {  	(pc) =	sbr.rel @p0 .LBB2_11-.Ltmp4, $3  }
0xb9: {  	v2 =	vmul.f32 v2, v3;
	v3 =	vmul.f32 v4, v3;
	_ =	sdelay $0x1  }
0xba: {  	s15 =	sadd.s32 $0x20, s15;
	[tilespmem:s14+$0xFFFFFFF0] =	vst v2  }
0xbb: {  	s16 =	sshra.s32 s1, $0x2;
	s1 =	sadd.s32 $0x40, s1;
	v2 =	vld [tilespmem:s15+$0xFFFFDFF0];
	[tilespmem:s14+$0x0] =	vst v3;
	s14 =	smov.u32 s15  }
0xbc: {  	_ =	sdelay $0x3  }
0xbd: {  	v1 =	vld.idx.msk [tilespmem:v1+s16+$0x0 ss:$0x1], $0xffff  }
0xbe: {  	v3 =	vld [tilespmem:s15+$0xFFFFE000];
	_ =	sdelay $0x3  }
0xbf: {  	v2 =	vmul.f32 v2, v1  }
0xc0: {  	s1 =	sadd.s32 s7, s11;
	v1 =	vmul.f32 v3, v1  }
0xc1: {  	s1 =	sshll.u32 s1, $0x5;
	[tilespmem:s14+$0xFFFFFFF0] =	vst v2  }
0xc2: {  	s24 =	sadd.s32 s1, s4;
	[tilespmem:s14+$0x0] =	vst v1  }
0xc3: {  	[spmem:s24] =	stream.linear.scatter [tilespmem:s23], [sflag:$0x9], $0x1000, $0x38;
	[tilespmem:$0x1E800] =	vst v63  }
0xc4: {  	s13 =	sadd.s32 $0x1, s13;
	_ =	swait.ge [sflag:s18], $0x1000  }
0xc5: {  	p0 =	sne.s32 s13, $0x5;
	[sflag:s18] =	ssyncset.done $0x0  }
.Ltmp5:
0xc6: {  	s1 =	sadd.s32 s1, s3;
	[sflag:s18] =	ssyncadd.s32 $0xFFFFF000;
	(pc) =	sbr.rel @p0 .LBB2_10-.Ltmp5, $4  }
0xc7: {  	[spmem:s1] =	stream.linear.scatter [tilespmem:s23], [sflag:$0x9], $0x1000, $0x38;
	[tilespmem:$0x1E800] =	vst v63  }
0xc8: {  	_ =	swait.ge [sflag:s18], $0x1000  }
0xc9: {  	[sflag:s18] =	ssyncset.done $0x0  }
0xca: {  	s10 =	sadd.s32 $0x800, s10;
	[sflag:s18] =	ssyncadd.s32 $0xFFFFF000  }
0xcb: {  	[bflag:$0x0] =	sbarrier.arrive $0xFFFF;
	s9 =	simm.s32 $0x0  }
.LBB2_14:
0xcc: {  	[tilespmem:s20], [sflag:$0x1] =	stream.indirect.gather [spmem:s4], $0x20, s5, s21, $0xb8;
	[tilespmem:$0x1E800] =	vst v63  }
0xcd: {  	_ = 	snop  }
0xce: {  	[tilespmem:s22], [sflag:$0x2] =	stream.indirect.gather [spmem:s4], $0x20, s21, s21, $0xb8;
	[tilespmem:$0x1E800] =	vst v63  }
0xcf: {  	s1 =	simm.s32 $0x200  }
0xd0: {  	[tilespmem:s23], [sflag:$0x3] =	stream.indirect.gather [spmem:s4], $0x20, s1, s21, $0xb8;
	[tilespmem:$0x1E800] =	vst v63  }
0xd1: {  	_ =	swait.ge [sflag:s25], $0x2000  }
0xd2: {  	s24 =	simm.s32 $0x1;
	[sflag:s25] =	ssyncset.done $0x0  }
0xd3: {  	s11 =	simm.s32 $0x4;
	s1 =	sand.u32 $0x3, s24;
	[sflag:s25] =	ssyncadd.s32 $0xFFFFE000  }
0xd4: {  	[spmem:s3] =	stream.indirect.scatter.add.f32 [tilespmem:s20], [sflag:$0x5], $0x20, s19, s21, $0xb8;
	[tilespmem:$0x1E800] =	vst v63  }
0xd5: {  	s10 =	simm.s32 $0x400;
	s14 =	simm.s32 $0x5100;
	s15 =	sadd.s32 $0x1, s1  }
0xd6: {  	[tilespmem:s28], [sflag:$0x4] =	stream.indirect.gather [spmem:s4], $0x20, s26, s21, $0xb8;
	[tilespmem:$0x1E800] =	vst v63  }
0xd7: {  	s13 =	simm.s32 $0x5;
	p0 =	por $0x0, $0x0;
	_ =	swait.ge [sflag:s15], $0x2000  }
0xd8: {  	s11 =	sand.u32 @!p0 $0x3, s11;
	s16 =	sshll.u32 s1, $0xD;
	[sflag:s15] =	ssyncset.done $0x0  }
0xd9: {  	s1 =	sadd.s32 $0x5, s1;
	s16 =	sadd.s32 $0xA000, s16;
	[sflag:s15] =	ssyncadd.s32 $0xFFFFE000  }
0xda: {  	[spmem:s3] =	stream.indirect.scatter.add.f32 [tilespmem:s16], [sflag:s1], $0x20, s14, s21, $0xb8;
	[tilespmem:$0x1E800] =	vst v63  }
0xdb: {  	s17 =	simm.s32 @!p0 $0x100;
	s15 =	sadd.s32 @!p0 $0x5, s11;
	s14 =	sshll.u32 @!p0 s11, $0xD  }
0xdc: {  	s1 =	sadd.s32 @!p0 $0x1, s11;
	s11 =	simm.s32 $0x5200;
	_ =	swait.ge @!p0 [sflag:s15], $0x2000  }
0xdd: {  	s16 =	sadd.s32 @!p0 $0xA000, s14;
	s14 =	simm.s32 $0x500;
	[sflag:s15] =	ssyncset.done @!p0 $0x0  }
.LBB2_15:
0xde: {  	s24 =	sadd.s32 $0xFFFFFFFD, s13  }
0xdf: {  	[sflag:s15] =	ssyncadd.s32 @!p0 $0xFFFFE000;
	s15 =	smov.u32 s13;
	s13 =	sadd.s32 $0x1, s13  }
0xe0: {  	[tilespmem:s16], [sflag:s1] =	stream.indirect.gather @!p0 [spmem:s4], $0x20, s10, s17, $0xb8;
	[tilespmem:$0x1E800] =	vst v63  }
0xe1: {  	s1 =	sand.u32 $0x3, s24;
	p1 =	sne.s32 s13, $0x53;
	s10 =	smov.u32 s14  }
0xe2: {  	s16 =	sshll.u32 s1, $0xD;
	s17 =	sadd.s32 $0x1, s1  }
0xe3: {  	p0 =	sgt.u32 s24, $0x4C;
	_ =	swait.ge [sflag:s17], $0x2000  }
0xe4: {  	s1 =	sadd.s32 $0x5, s1;
	s16 =	sadd.s32 $0xA000, s16;
	[sflag:s17] =	ssyncset.done $0x0  }
.Ltmp6:
0xe5: {  	[sflag:s17] =	ssyncadd.s32 $0xFFFFE000;
	s17 =	sand.u32 @!p0 $0x3, s15;
	(pc) =	sbr.rel @p1 .LBB2_15-.Ltmp6, $4  }
0xe6: {  	[spmem:s3] =	stream.indirect.scatter.add.f32 [tilespmem:s16], [sflag:s1], $0x20, s11, s21, $0xb8;
	[tilespmem:$0x1E800] =	vst v63  }
0xe7: {  	s15 =	sadd.s32 @!p0 $0x5, s17;
	s16 =	sshll.u32 @!p0 s17, $0xD;
	s1 =	sadd.s32 @!p0 $0x1, s17  }
0xe8: {  	s11 =	sadd.s32 $0x100, s11;
	s16 =	sadd.s32 @!p0 $0xA000, s16;
	_ =	swait.ge @!p0 [sflag:s15], $0x2000  }
0xe9: {  	s14 =	sadd.s32 $0x100, s14;
	s17 =	simm.s32 @!p0 $0x100;
	[sflag:s15] =	ssyncset.done @!p0 $0x0  }
0xea: {  	[sflag:s15] =	ssyncadd.s32 @!p0 $0xFFFFE000  }
0xeb: {  	[tilespmem:s16], [sflag:s1] =	stream.indirect.gather @!p0 [spmem:s4], $0x20, s10, s17, $0xb8;
	[tilespmem:$0x1E800] =	vst v63  }
0xec: {  	_ =	swait.ge [sflag:s29], $0x2000  }
0xed: {  	[sflag:s29] =	ssyncset.done $0x0  }
0xee: {  	[sflag:s29] =	ssyncadd.s32 $0xFFFFE000  }
0xef: {  	_ =	swait.ge [sflag:s30], $0x2000  }
0xf0: {  	[sflag:s30] =	ssyncset.done $0x0  }
0xf1: {  	[sflag:s30] =	ssyncadd.s32 $0xFFFFE000  }
0xf2: {  	_ =	swait.ge [sflag:s31], $0x2000  }
0xf3: {  	[sflag:s31] =	ssyncset.done $0x0  }
0xf4: {  	[sflag:s31] =	ssyncadd.s32 $0xFFFFE000  }
0xf5: {  	_ =	swait.ge [sflag:s0], $0x2000  }
0xf6: {  	s24 =	smul.u32 $0x5000, s9;
	[sflag:s0] =	ssyncset.done $0x0  }
0xf7: {  	s13 =	simm.s32 $0x0;
	[sflag:s0] =	ssyncadd.s32 $0xFFFFE000  }
0xf8: {  	s14 =	simm.s32 $0x12000;
	s10 =	sadd.s32 s8, s24;
	[bflag:$0x0] =	sbarrier.arrive $0xFFFF  }
.LBB2_17:
0xf9: {  	s1 =	sshll.u32 s13, $0x7  }
0xfa: {  	s17 =	sadd.s32 s7, s1  }
0xfb: {  	s16 =	sshll.u32 s17, $0x5  }
0xfc: {  	s11 =	simm.s32 $0xA000;
	v1 =	vmov s14;
	s15 =	sadd.s32 s16, s3  }
0xfd: {  	[tilespmem:s11], [sflag:$0x9] =	stream.linear.gather [spmem:s15], $0x1000, $0x38;
	[tilespmem:$0x1E800] =	vst v63  }
0xfe: {  	_ =	swait.ge [sflag:s18], $0x1000  }
0xff: {  	[sflag:s18] =	ssyncset.done $0x0  }
0x100: {  	s24 =	simm.s32 $0x0;
	[sflag:s18] =	ssyncadd.s32 $0xFFFFF000  }
0x101: {  	v2 =	vld.idx.msk [tilespmem:v1+s24+$0x0 ss:$0x1], $0xffff  }
0x102: {  	v3 =	vld [tilespmem:s11+$0x0]  }
0x103: {  	v4 =	vld [tilespmem:s11+$0x10];
	_ =	sdelay $0x3  }
0x104: {  	v5 =	vmul.f32 v2, v2;
	v6 =	vmul.f32 v3, v2  }
0x105: {  	v2 =	vmul.f32 v4, v2  }
0x106: {  	[tilespmem:s11+$0x2000] =	vst v6;
	v3 =	vmul.f32 v5, v3  }
0x107: {  	v4 =	vmul.f32 v4, v5;
	[tilespmem:s11+$0x2010] =	vst v2  }
0x108: {  	[tilespmem:s11+$0x4000] =	vst v3  }
0x109: {  	s1 =	simm.s32 $0x80;
	s24 =	simm.s32 $0x10;
	[tilespmem:s11+$0x4010] =	vst v4  }
.LBB2_18:
0x10a: {  	p0 =	sne.s32 s1, $0x1FC0;
	v2 =	vld.idx.msk [tilespmem:v1+s24+$0x0 ss:$0x1], $0xffff;
	s11 =	sadd.s32 $0x20, s11  }
0x10b: {  	v3 =	vld [tilespmem:s11+$0x0]  }
0x10c: {  	v4 =	vld [tilespmem:s11+$0x10];
	_ =	sdelay $0x3  }
0x10d: {  	v5 =	vmul.f32 v2, v2;
	v6 =	vmul.f32 v3, v2  }
.Ltmp7:
0x10e: {  	v2 =	vmul.f32 v4, v2;
	(pc) =	sbr.rel @p0 .LBB2_18-.Ltmp7, $4  }
0x10f: {  	v3 =	vmul.f32 v5, v3;
	v4 =	vmul.f32 v4, v5;
	[tilespmem:s11+$0x2000] =	vst v6  }
0x110: {  	[tilespmem:s11+$0x2010] =	vst v2  }
0x111: {  	[tilespmem:s11+$0x4000] =	vst v3  }
0x112: {  	s24 =	sshra.s32 s1, $0x2;
	s1 =	sadd.s32 $0x40, s1;
	[tilespmem:s11+$0x4010] =	vst v4  }
0x113: {  	_ =	sdelay $0x3  }
0x114: {  	v1 =	vld.idx.msk [tilespmem:v1+s24+$0x0 ss:$0x1], $0xffff;
	s1 =	sadd.s32 $0x20, s11  }
0x115: {  	v2 =	vld [tilespmem:s1+$0x0]  }
0x116: {  	v3 =	vld [tilespmem:s1+$0x10];
	_ =	sdelay $0x3  }
0x117: {  	v4 =	vmul.f32 v1, v1;
	v5 =	vmul.f32 v2, v1  }
0x118: {  	v1 =	vmul.f32 v3, v1  }
0x119: {  	v2 =	vmul.f32 v4, v2;
	[tilespmem:s1+$0x2000] =	vst v5  }
0x11a: {  	s24 =	sadd.s32 s17, s10;
	v3 =	vmul.f32 v3, v4;
	[tilespmem:s1+$0x2010] =	vst v1  }
0x11b: {  	s11 =	sshll.u32 s24, $0x2;
	[tilespmem:s1+$0x4000] =	vst v2  }
0x11c: {  	s17 =	sadd.s32 s2, s11;
	[tilespmem:s1+$0x4010] =	vst v3  }
0x11d: {  	[hbm4b:s17+s5] =	stream.linear.scatter [tilespmem:s22], [sflag:$0x9], $0x1000, $0x38;
	[tilespmem:$0x1E800] =	vst v63  }
0x11e: {  	_ =	swait.ge [sflag:s18], $0x1000  }
0x11f: {  	[sflag:s18] =	ssyncset.done $0x0  }
0x120: {  	s24 =	sadd.s32 s16, s4;
	[sflag:s18] =	ssyncadd.s32 $0xFFFFF000  }
0x121: {  	[spmem:s24] =	stream.linear.scatter [tilespmem:s23], [sflag:$0x9], $0x1000, $0x38;
	[tilespmem:$0x1E800] =	vst v63  }
0x122: {  	s13 =	sadd.s32 $0x1, s13;
	_ =	swait.ge [sflag:s18], $0x1000  }
0x123: {  	p0 =	sne.s32 s13, $0x5;
	[sflag:s18] =	ssyncset.done $0x0  }
.Ltmp8:
0x124: {  	[sflag:s18] =	ssyncadd.s32 $0xFFFFF000;
	(pc) =	sbr.rel @p0 .LBB2_17-.Ltmp8, $4  }
0x125: {  	[spmem:s15] =	stream.linear.scatter [tilespmem:s23], [sflag:$0x9], $0x1000, $0x38;
	[tilespmem:$0x1E800] =	vst v63  }
0x126: {  	_ =	swait.ge [sflag:s18], $0x1000  }
0x127: {  	[sflag:s18] =	ssyncset.done $0x0  }
0x128: {  	s14 =	sadd.s32 $0x800, s14;
	[sflag:s18] =	ssyncadd.s32 $0xFFFFF000  }
0x129: {  	s9 =	sadd.s32 $0x1, s9  }
0x12a: {  	p0 =	sne.s32 s9, $0xA  }
.Ltmp9:
0x12b: {  	_ = 	snop;
	(pc) =	sbr.rel @p0 .LBB2_14-.Ltmp9, $2  }
0x12c: {  	_ =	sdelay $0x1  }
0x12d: {  	[bflag:$0x0] =	sbarrier.arrive $0xFFFF;
	_ =	sdelay $0x1  }
0x12e: {  	s9 =	rddreg [dreg:$0xd]  }
0x12f: {  	s1 =	rddreg [dreg:$0x8];
	s9 =	sadd.s32 $0x1, s9  }
0x130: {  	p0 =	sne.s32 s9, s1  }
.Ltmp10:
0x131: {  	_ = 	snop;
	(pc) =	sbr.rel @p0 .LBB2_1-.Ltmp10, $1  }
0x132: {  	_ =	sdelay $0x3  }
0x133: {  	_ =	sfence.sel $0x180000  }
0x134: {  	[bflag:$0x0] =	sbarrier.arrive $0xFFFF  }
0x135: {  	_ =	strace $0x90000047  }
0x136: {  	s0 =	stileid.u32;
	[bflag:$0x2] =	sbarrier.arrive $0xFFFF  }
0x137: {  	p0 =	sne.s32 s0, $0x0;
	s0 =	rddreg [dreg:$0x4]  }
0x138: {  	s0 =	sadd.s32 @!p0 $0x100000, s0  }
0x139: {  	[sflag:s0] =	ssyncadd.tile.s32 @!p0 $0x1;
	_ =	shalt  }
.Lfunc_end2:
_tile_overlayer_lowered:
.L_overlay_start_2:
0x13a: {  	(tag) =	ssettag $0x2  }
0x13b: {  	s0 =	rddreg [dreg:$0x0];
	s2 =	stileid.u32  }
0x13c: {  	s1 =	rddreg [dreg:$0x1];
	p0 =	sne.s32 s2, $0x0  }
0x13d: {  	s3 =	rddreg [dreg:$0x2];
	[bflag:$0x3] =	sbarrier.arrive $0xFFFF;
	s2 =	simm.s32 @!p0 $0x1C09  }
0x13e: {  	[timem:s3], [sflag:s2] =	dma.local @!p0 [hbm:s0], s1  }
0x13f: {  	s0 =	simm.s32 @!p0 $0x9  }
0x140: {  	_ =	swait.ge @!p0 [sflag:s0], s1  }
0x141: {  	s1 =	ssub.s32 @!p0 $0x0, s1;
	[sflag:s0] =	ssyncset.done @!p0 $0x0  }
0x142: {  	[sflag:s0] =	ssyncadd.s32 @!p0 s1  }
0x143: {  	[bflag:$0x3] =	sbarrier.arrive $0xFFFF  }
0x144: {  	_ =	shalt  }

</sc_bundles>
